<compile_context>
chip_gen: v7x
topology: tpu7x:2x2x1
jax: 0.10.2.dev20260603
libtpu: 0.0.44.dev20260713+nightly
codegen_flags: <defaults>
</compile_context>

<pallas_src>
import functools

import jax
import jax.numpy as jnp
from jax import lax
from jax.experimental import pallas as pl
from jax.experimental.pallas import tpu as pltpu
from jax.experimental.pallas import tpu_sc as plsc

LANES = 16
PAD = 128


def kernel(values_dyn, values_static, dyn_table, static_table):
    (b_dyn,) = values_dyn.shape
    (b_st,) = values_static.shape
    v_dyn, dim = dyn_table.shape
    v_st = static_table.shape[0]

    t2 = jnp.pad(dyn_table, ((0, 0), (0, PAD - dim))).reshape(2 * v_dyn, dim)
    s2 = jnp.pad(static_table, ((0, 0), (0, PAD - dim))).reshape(2 * v_st, dim)

    info = plsc.get_sparse_core_info()
    nw = info.num_cores * info.num_subcores
    nc = info.num_cores

    bpw_dyn = b_dyn // nw
    bpw_st = b_st // nw
    ch = 640
    n_ch = bpw_dyn // ch

    assert b_dyn % (nw * ch) == 0 and bpw_st % LANES == 0 and bpw_st <= ch
    assert n_ch % 2 == 0 and dim == 64

    mesh = plsc.VectorSubcoreMesh(core_axis_name="c", subcore_axis_name="s")

    @functools.partial(
        pl.kernel,
        out_type=(
            jax.ShapeDtypeStruct((b_dyn, PAD), jnp.float32),
            jax.ShapeDtypeStruct((b_st, PAD), jnp.float32),
        ),
        mesh=mesh,
        scratch_types=[
            pltpu.VMEM((bpw_dyn,), jnp.int32),
            pltpu.VMEM((bpw_st,), jnp.int32),
            pltpu.VMEM((ch,), jnp.int32),
            pltpu.VMEM((ch,), jnp.int32),
            pltpu.VMEM((ch, 64), jnp.float32),
            pltpu.VMEM((ch, 64), jnp.float32),
            pltpu.SemaphoreType.DMA,
            pltpu.SemaphoreType.DMA,
            pltpu.SemaphoreType.DMA,
            pltpu.SemaphoreType.DMA,
        ],
        compiler_params=pltpu.CompilerParams(
            use_tc_tiling_on_sc=False, needs_layout_passes=False),
    )
    def emb_kernel(vdyn_hbm, vst_hbm, t2_hbm, s2_hbm, out_dyn, out_st,
                   idx_v, sidx_v, pid0, pid1, gbuf0, gbuf1,
                   sem_g0, sem_g1, sem_o0, sem_o1):
        wid = lax.axis_index("s") * nc + lax.axis_index("c")
        pid = (pid0, pid1)
        gbuf = (gbuf0, gbuf1)
        sem_g = (sem_g0, sem_g1)
        sem_o = (sem_o0, sem_o1)
        base = wid * bpw_dyn
        st_base = wid * bpw_st

        pltpu.sync_copy(vst_hbm.at[pl.ds(st_base, bpw_st)], sidx_v)
        pltpu.sync_copy(vdyn_hbm.at[pl.ds(base, bpw_dyn)], idx_v)

        def prep(iref, g, b):
            def pp(q, carry):
                blk = iref[pl.ds(g * ch + q * LANES, LANES)]
                pid[b][pl.ds(q * LANES, LANES)] = lax.shift_left(blk, 1)
                return carry
            lax.fori_loop(0, ch // LANES, pp, 0)

        def gth(tref, g, b):
            return pltpu.make_async_copy(tref.at[pid[b]], gbuf[b], sem_g[b])

        def outc(oref, gbase, g, b):
            dst = oref.at[pl.ds(gbase + g * ch, ch), pl.ds(0, dim)]
            return pltpu.make_async_copy(gbuf[b], dst, sem_o[b])

        prep(idx_v, 0, 0)
        gth(t2_hbm, 0, 0).start()
        prep(idx_v, 1, 1)
        gth(t2_hbm, 0, 0).wait()
        gth(t2_hbm, 1, 1).start()
        outc(out_dyn, base, 0, 0).start()

        def step(g, b):
            gth(t2_hbm, g, b).wait()
            prep(idx_v, g + 1, 1 - b)
            outc(out_dyn, base, g - 1, 1 - b).wait()
            gth(t2_hbm, g + 1, 1 - b).start()
            outc(out_dyn, base, g, b).start()

        def body(p, carry):
            step(2 * p + 1, 1)
            step(2 * p + 2, 0)
            return carry

        lax.fori_loop(0, (n_ch - 2) // 2, body, 0)
        g_last = n_ch - 1
        gth(t2_hbm, g_last, 1).wait()
        outc(out_dyn, base, g_last - 1, 0).wait()
        outc(out_dyn, base, g_last, 1).start()
        outc(out_dyn, base, g_last, 1).wait()

        def pps(q, carry):
            blk = sidx_v[pl.ds(q * LANES, LANES)]
            pid0[pl.ds(q * LANES, LANES)] = lax.shift_left(blk, 1)
            return carry
        lax.fori_loop(0, bpw_st // LANES, pps, 0)
        scp = pltpu.make_async_copy(
            s2_hbm.at[pid0.at[pl.ds(0, bpw_st)]],
            gbuf0.at[pl.ds(0, bpw_st)], sem_g0)
        scp.start()
        scp.wait()
        ocp = pltpu.make_async_copy(
            gbuf0.at[pl.ds(0, bpw_st)],
            out_st.at[pl.ds(st_base, bpw_st), pl.ds(0, dim)], sem_o0)
        ocp.start()
        ocp.wait()

    out_dyn, out_st = emb_kernel(values_dyn, values_static, t2, s2)
    return (out_dyn[:, :dim], out_st[:, :dim])

# --- scband reference (transcript-rebuilt; emitter-appended) ---
"""Pipeline reference for scband-inference-embedding-76295799046198 (READ-ONLY COPY).

The authoritative reference and input builder live on the scoring server;
editing this copy changes nothing except your own understanding.
"""

import jax, jax.numpy as jnp
import numpy as np

BATCH = 16384
HIST = 50
VOCAB_DYN = 1000000
VOCAB_STATIC = 100000
DIM = 64


def setup_inputs(seed: int = 0) -> dict:
    key = jax.random.key(seed)
    k1, k2, k3 = jax.random.split(key, 3)
    # KJT values for the dynamic feature 'item_hist': 50 ids per sample, flattened
    values_dyn = jax.random.randint(k1, (BATCH * HIST,), 0, VOCAB_DYN, dtype=jnp.int32)
    # KJT values for the static feature 'user_id': 1 id per sample
    values_static = jax.random.randint(k2, (BATCH,), 0, VOCAB_STATIC, dtype=jnp.int32)
    # Dynamic embedding table (DynamicEmb backend, NORMAL initializer)
    dyn_table = jax.random.normal(k3, (VOCAB_DYN, DIM), dtype=jnp.float32) * 0.01
    # Static embedding table (TorchRec backend; InferenceEmbedding applies ones_ init)
    static_table = jnp.ones((VOCAB_STATIC, DIM), dtype=jnp.float32)
    return {
        'values_dyn': values_dyn,
        'values_static': values_static,
        'dyn_table': dyn_table,
        'static_table': static_table,
    }


def reference(values_dyn, values_static, dyn_table, static_table):
    # InferenceDynamicEmbeddingCollection: non-pooled (DynamicEmbPoolingMode.NONE)
    # lookup on the flattened KJT values -> one embedding row per id.
    dyn_emb = jnp.take(dyn_table, values_dyn, axis=0)
    # Static EmbeddingCollection lookup (runs on side stream in torch; math is a gather).
    static_emb = jnp.take(static_table, values_static, axis=0)
    # Output dict {feature_name: JaggedTensor} modeled as a tuple of per-feature values.
    return (dyn_emb, static_emb)

if __name__ == "__main__":
    import jax
    _d = setup_inputs()
    print(jax.jit(kernel)(*tuple(_d.values())))

</pallas_src>

<mosaic_0001>
#map = affine_map<(d0, d1) -> (0)>
#map1 = affine_map<(d0, d1) -> (0, 0)>
module attributes {stable_mosaic.version = 14 : i64} {
  func.func @emb_kernel(%arg0: i32, %arg1: i32, %arg2: memref<819200xi32, #tpu.memory_space<hbm>>, %arg3: memref<16384xi32, #tpu.memory_space<hbm>>, %arg4: memref<2000000x64xf32, #tpu.memory_space<hbm>>, %arg5: memref<200000x64xf32, #tpu.memory_space<hbm>>, %arg6: memref<819200x128xf32, #tpu.memory_space<hbm>>, %arg7: memref<16384x128xf32, #tpu.memory_space<hbm>>, %arg8: memref<25600xi32, #tpu.memory_space<vmem>>, %arg9: memref<512xi32, #tpu.memory_space<vmem>>, %arg10: memref<640xi32, #tpu.memory_space<vmem>>, %arg11: memref<640xi32, #tpu.memory_space<vmem>>, %arg12: memref<640x64xf32, #tpu.memory_space<vmem>>, %arg13: memref<640x64xf32, #tpu.memory_space<vmem>>, %arg14: memref<!tpu.dma_semaphore, #tpu.memory_space<semaphore_mem>>, %arg15: memref<!tpu.dma_semaphore, #tpu.memory_space<semaphore_mem>>, %arg16: memref<!tpu.dma_semaphore, #tpu.memory_space<semaphore_mem>>, %arg17: memref<!tpu.dma_semaphore, #tpu.memory_space<semaphore_mem>>) attributes {dimension_semantics = [#tpu.dimension_semantics<core_parallel>, #tpu.dimension_semantics<subcore_parallel>], iteration_bounds = array<i64: 2, 16>, scalar_prefetch = 0 : i64, scratch_operands = 10 : i64, tpu.core_type = #tpu.core_type<sc_vector_subcore>, window_params = [{transform_indices = #map}, {transform_indices = #map}, {transform_indices = #map1}, {transform_indices = #map1}, {transform_indices = #map1}, {transform_indices = #map1}]} {
    %mul3A = arith.constant 2 : i32
    %mul3A_0 = arith.muli %arg1, %mul3A : i32
    %add3A = arith.addi %mul3A_0, %arg0 : i32
    %mul3A_1 = arith.constant 25600 : i32
    %mul3A_2 = arith.muli %add3A, %mul3A_1 : i32
    %mul3A_3 = arith.constant 512 : i32
    %mul3A_4 = arith.muli %add3A, %mul3A_3 : i32
    "tpu.region"() ({
      %run_scoped3A = tpu.sem_alloc : memref<!tpu.dma_semaphore, #tpu.memory_space<semaphore_mem>>
      %dma_start3A_98 = tpu.memref_slice %arg3[%mul3A_4] : memref<16384xi32, #tpu.memory_space<hbm>> -> memref<512xi32, #tpu.memory_space<hbm>>
      %dma_start3A_99 = tpu.memref_slice %arg3[%mul3A_4] : memref<16384xi32, #tpu.memory_space<hbm>> -> memref<512xi32, #tpu.memory_space<hbm>>
      tpu.enqueue_dma source(%dma_start3A_99 : memref<512xi32, #tpu.memory_space<hbm>>) target(%arg9 : memref<512xi32, #tpu.memory_space<vmem>>) target_semaphore(%run_scoped3A : memref<!tpu.dma_semaphore, #tpu.memory_space<semaphore_mem>>)
      %dma_wait3A_100 = tpu.memref_slice %arg3[%mul3A_4] : memref<16384xi32, #tpu.memory_space<hbm>> -> memref<512xi32, #tpu.memory_space<hbm>>
      %dma_wait3A_101 = tpu.memref_slice %arg3[%mul3A_4] : memref<16384xi32, #tpu.memory_space<hbm>> -> memref<512xi32, #tpu.memory_space<hbm>>
      tpu.wait_dma2 semaphore(%run_scoped3A : memref<!tpu.dma_semaphore, #tpu.memory_space<semaphore_mem>>) src(%dma_wait3A_101 : memref<512xi32, #tpu.memory_space<hbm>>) dst(%arg9 : memref<512xi32, #tpu.memory_space<vmem>>)
      tpu.yield
    }) : () -> ()
    "tpu.region"() ({
      %run_scoped3A = tpu.sem_alloc : memref<!tpu.dma_semaphore, #tpu.memory_space<semaphore_mem>>
      %dma_start3A_98 = tpu.memref_slice %arg2[%mul3A_2] : memref<819200xi32, #tpu.memory_space<hbm>> -> memref<25600xi32, #tpu.memory_space<hbm>>
      %dma_start3A_99 = tpu.memref_slice %arg2[%mul3A_2] : memref<819200xi32, #tpu.memory_space<hbm>> -> memref<25600xi32, #tpu.memory_space<hbm>>
      tpu.enqueue_dma source(%dma_start3A_99 : memref<25600xi32, #tpu.memory_space<hbm>>) target(%arg8 : memref<25600xi32, #tpu.memory_space<vmem>>) target_semaphore(%run_scoped3A : memref<!tpu.dma_semaphore, #tpu.memory_space<semaphore_mem>>)
      %dma_wait3A_100 = tpu.memref_slice %arg2[%mul3A_2] : memref<819200xi32, #tpu.memory_space<hbm>> -> memref<25600xi32, #tpu.memory_space<hbm>>
      %dma_wait3A_101 = tpu.memref_slice %arg2[%mul3A_2] : memref<819200xi32, #tpu.memory_space<hbm>> -> memref<25600xi32, #tpu.memory_space<hbm>>
      tpu.wait_dma2 semaphore(%run_scoped3A : memref<!tpu.dma_semaphore, #tpu.memory_space<semaphore_mem>>) src(%dma_wait3A_101 : memref<25600xi32, #tpu.memory_space<hbm>>) dst(%arg8 : memref<25600xi32, #tpu.memory_space<vmem>>)
      tpu.yield
    }) : () -> ()
    %scan3A = arith.constant 0 : i32
    %scan3A_5 = arith.constant 0 : i32
    %scan3A_6 = arith.constant 40 : i32
    %scan3A_7 = arith.addi %scan3A_5, %scan3A_6 : i32
    %scan3A_8 = arith.constant 1 : i32
    scf.for %scan3A_98 = %scan3A_5 to %scan3A_7 step %scan3A_8  : i32 {
      %mul3A_99 = arith.constant 16 : i32
      %mul3A_100 = arith.muli %scan3A_98, %mul3A_99 : i32
      %add3A_101 = arith.constant 0 : i32
      %add3A_102 = arith.addi %add3A_101, %mul3A_100 : i32
      %get3A = arith.index_cast %add3A_102 : i32 to index
      %get3A_103 = tpu.vector_load %arg8[%get3A] {strides = array<i32>} : memref<25600xi32, #tpu.memory_space<vmem>>, vector<16xi32>,
      %shift_left3A = arith.constant 1 : i32
      %shift_left3A_104 = vector.broadcast %shift_left3A : i32 to vector<16xi32>
      %shift_left3A_105 = arith.shli %get3A_103, %shift_left3A_104 : vector<16xi32>
      %mul3A_106 = arith.constant 16 : i32
      %mul3A_107 = arith.muli %scan3A_98, %mul3A_106 : i32
      %swap3A = arith.index_cast %mul3A_107 : i32 to index
      %swap3A_108 = tpu.vector_load %arg10[%swap3A] {strides = array<i32>} : memref<640xi32, #tpu.memory_space<vmem>>, vector<16xi32>,
      tpu.vector_store %arg10[%swap3A], %shift_left3A_105 {strides = array<i32>} : memref<640xi32, #tpu.memory_space<vmem>>, vector<16xi32>,
    }
    %scan3A_9 = arith.constant 40 : i32
    %dma_start3A = arith.constant 0 : i32
    %dma_start3A_10 = arith.constant 0 : i32
    %dma_start3A_11 = tpu.memref_slice %arg4[%dma_start3A, %dma_start3A_10] : memref<2000000x64xf32, #tpu.memory_space<hbm>> -> memref<2000000x64xf32, #tpu.memory_space<hbm>>
    tpu.enqueue_indirect_dma source(%dma_start3A_11 : memref<2000000x64xf32, #tpu.memory_space<hbm>>) target(%arg12 : memref<640x64xf32, #tpu.memory_space<vmem>>) offsets(%arg10 : memref<640xi32, #tpu.memory_space<vmem>>) semaphore(%arg14 : memref<!tpu.dma_semaphore, #tpu.memory_space<semaphore_mem>>)
    %scan3A_12 = arith.constant 0 : i32
    %scan3A_13 = arith.constant 0 : i32
    %scan3A_14 = arith.constant 40 : i32
    %scan3A_15 = arith.addi %scan3A_13, %scan3A_14 : i32
    %scan3A_16 = arith.constant 1 : i32
    scf.for %scan3A_98 = %scan3A_13 to %scan3A_15 step %scan3A_16  : i32 {
      %mul3A_99 = arith.constant 16 : i32
      %mul3A_100 = arith.muli %scan3A_98, %mul3A_99 : i32
      %add3A_101 = arith.constant 640 : i32
      %add3A_102 = arith.addi %add3A_101, %mul3A_100 : i32
      %get3A = arith.index_cast %add3A_102 : i32 to index
      %get3A_103 = tpu.vector_load %arg8[%get3A] {strides = array<i32>} : memref<25600xi32, #tpu.memory_space<vmem>>, vector<16xi32>,
      %shift_left3A = arith.constant 1 : i32
      %shift_left3A_104 = vector.broadcast %shift_left3A : i32 to vector<16xi32>
      %shift_left3A_105 = arith.shli %get3A_103, %shift_left3A_104 : vector<16xi32>
      %mul3A_106 = arith.constant 16 : i32
      %mul3A_107 = arith.muli %scan3A_98, %mul3A_106 : i32
      %swap3A = arith.index_cast %mul3A_107 : i32 to index
      %swap3A_108 = tpu.vector_load %arg11[%swap3A] {strides = array<i32>} : memref<640xi32, #tpu.memory_space<vmem>>, vector<16xi32>,
      tpu.vector_store %arg11[%swap3A], %shift_left3A_105 {strides = array<i32>} : memref<640xi32, #tpu.memory_space<vmem>>, vector<16xi32>,
    }
    %scan3A_17 = arith.constant 40 : i32
    %dma_wait3A = arith.constant 0 : i32
    %dma_wait3A_18 = arith.constant 0 : i32
    %dma_wait3A_19 = tpu.memref_slice %arg4[%dma_wait3A, %dma_wait3A_18] : memref<2000000x64xf32, #tpu.memory_space<hbm>> -> memref<2000000x64xf32, #tpu.memory_space<hbm>>
    tpu.wait_indirect_dma semaphore(%arg14 : memref<!tpu.dma_semaphore, #tpu.memory_space<semaphore_mem>>) src(%dma_wait3A_19 : memref<2000000x64xf32, #tpu.memory_space<hbm>>) dst(%arg12 : memref<640x64xf32, #tpu.memory_space<vmem>>)
    %dma_start3A_20 = arith.constant 0 : i32
    %dma_start3A_21 = arith.constant 0 : i32
    %dma_start3A_22 = tpu.memref_slice %arg4[%dma_start3A_20, %dma_start3A_21] : memref<2000000x64xf32, #tpu.memory_space<hbm>> -> memref<2000000x64xf32, #tpu.memory_space<hbm>>
    tpu.enqueue_indirect_dma source(%dma_start3A_22 : memref<2000000x64xf32, #tpu.memory_space<hbm>>) target(%arg13 : memref<640x64xf32, #tpu.memory_space<vmem>>) offsets(%arg11 : memref<640xi32, #tpu.memory_space<vmem>>) semaphore(%arg15 : memref<!tpu.dma_semaphore, #tpu.memory_space<semaphore_mem>>)
    %add3A_23 = arith.constant 0 : i32
    %add3A_24 = arith.addi %mul3A_2, %add3A_23 : i32
    %dma_start3A_25 = arith.constant 0 : i32
    %dma_start3A_26 = tpu.memref_slice %arg6[%add3A_24, %dma_start3A_25] : memref<819200x128xf32, #tpu.memory_space<hbm>> -> memref<640x64xf32, #tpu.memory_space<hbm>>
    %dma_start3A_27 = arith.constant 0 : i32
    %dma_start3A_28 = tpu.memref_slice %arg6[%add3A_24, %dma_start3A_27] : memref<819200x128xf32, #tpu.memory_space<hbm>> -> memref<640x64xf32, #tpu.memory_space<hbm>>
    tpu.enqueue_dma source(%arg12 : memref<640x64xf32, #tpu.memory_space<vmem>>) target(%dma_start3A_28 : memref<640x64xf32, #tpu.memory_space<hbm>>) target_semaphore(%arg16 : memref<!tpu.dma_semaphore, #tpu.memory_space<semaphore_mem>>)
    %scan3A_29 = arith.constant 0 : i32
    %scan3A_30 = arith.constant 0 : i32
    %scan3A_31 = arith.constant 19 : i32
    %scan3A_32 = arith.addi %scan3A_30, %scan3A_31 : i32
    %scan3A_33 = arith.constant 1 : i32
    scf.for %scan3A_98 = %scan3A_30 to %scan3A_32 step %scan3A_33  : i32 {
      %mul3A_99 = arith.constant 2 : i32
      %mul3A_100 = arith.muli %mul3A_99, %scan3A_98 : i32
      %add3A_101 = arith.constant 1 : i32
      %add3A_102 = arith.addi %mul3A_100, %add3A_101 : i32
      %dma_wait3A_103 = arith.constant 0 : i32
      %dma_wait3A_104 = arith.constant 0 : i32
      %dma_wait3A_105 = tpu.memref_slice %arg4[%dma_wait3A_103, %dma_wait3A_104] : memref<2000000x64xf32, #tpu.memory_space<hbm>> -> memref<2000000x64xf32, #tpu.memory_space<hbm>>
      tpu.wait_indirect_dma semaphore(%arg15 : memref<!tpu.dma_semaphore, #tpu.memory_space<semaphore_mem>>) src(%dma_wait3A_105 : memref<2000000x64xf32, #tpu.memory_space<hbm>>) dst(%arg13 : memref<640x64xf32, #tpu.memory_space<vmem>>)
      %add3A_106 = arith.constant 1 : i32
      %add3A_107 = arith.addi %add3A_102, %add3A_106 : i32
      %scan3A_108 = arith.constant 0 : i32
      %scan3A_109 = arith.constant 0 : i32
      %scan3A_110 = arith.constant 40 : i32
      %scan3A_111 = arith.addi %scan3A_109, %scan3A_110 : i32
      %scan3A_112 = arith.constant 1 : i32
      scf.for %scan3A_170 = %scan3A_109 to %scan3A_111 step %scan3A_112  : i32 {
        %mul3A_171 = arith.constant 640 : i32
        %mul3A_172 = arith.muli %add3A_107, %mul3A_171 : i32
        %mul3A_173 = arith.constant 16 : i32
        %mul3A_174 = arith.muli %scan3A_170, %mul3A_173 : i32
        %add3A_175 = arith.addi %mul3A_172, %mul3A_174 : i32
        %get3A = arith.index_cast %add3A_175 : i32 to index
        %get3A_176 = tpu.vector_load %arg8[%get3A] {strides = array<i32>} : memref<25600xi32, #tpu.memory_space<vmem>>, vector<16xi32>,
        %shift_left3A = arith.constant 1 : i32
        %shift_left3A_177 = vector.broadcast %shift_left3A : i32 to vector<16xi32>
        %shift_left3A_178 = arith.shli %get3A_176, %shift_left3A_177 : vector<16xi32>
        %mul3A_179 = arith.constant 16 : i32
        %mul3A_180 = arith.muli %scan3A_170, %mul3A_179 : i32
        %swap3A = arith.index_cast %mul3A_180 : i32 to index
        %swap3A_181 = tpu.vector_load %arg10[%swap3A] {strides = array<i32>} : memref<640xi32, #tpu.memory_space<vmem>>, vector<16xi32>,
        tpu.vector_store %arg10[%swap3A], %shift_left3A_178 {strides = array<i32>} : memref<640xi32, #tpu.memory_space<vmem>>, vector<16xi32>,
      }
      %scan3A_113 = arith.constant 40 : i32
      %sub3A = arith.constant 1 : i32
      %sub3A_114 = arith.subi %add3A_102, %sub3A : i32
      %mul3A_115 = arith.constant 640 : i32
      %mul3A_116 = arith.muli %sub3A_114, %mul3A_115 : i32
      %add3A_117 = arith.addi %mul3A_2, %mul3A_116 : i32
      %dma_wait3A_118 = arith.constant 0 : i32
      %dma_wait3A_119 = tpu.memref_slice %arg6[%add3A_117, %dma_wait3A_118] : memref<819200x128xf32, #tpu.memory_space<hbm>> -> memref<640x64xf32, #tpu.memory_space<hbm>>
      %dma_wait3A_120 = arith.constant 0 : i32
      %dma_wait3A_121 = tpu.memref_slice %arg6[%add3A_117, %dma_wait3A_120] : memref<819200x128xf32, #tpu.memory_space<hbm>> -> memref<640x64xf32, #tpu.memory_space<hbm>>
      tpu.wait_dma2 semaphore(%arg16 : memref<!tpu.dma_semaphore, #tpu.memory_space<semaphore_mem>>) src(%arg12 : memref<640x64xf32, #tpu.memory_space<vmem>>) dst(%dma_wait3A_121 : memref<640x64xf32, #tpu.memory_space<hbm>>)
      %add3A_122 = arith.constant 1 : i32
      %add3A_123 = arith.addi %add3A_102, %add3A_122 : i32
      %dma_start3A_124 = arith.constant 0 : i32
      %dma_start3A_125 = arith.constant 0 : i32
      %dma_start3A_126 = tpu.memref_slice %arg4[%dma_start3A_124, %dma_start3A_125] : memref<2000000x64xf32, #tpu.memory_space<hbm>> -> memref<2000000x64xf32, #tpu.memory_space<hbm>>
      tpu.enqueue_indirect_dma source(%dma_start3A_126 : memref<2000000x64xf32, #tpu.memory_space<hbm>>) target(%arg12 : memref<640x64xf32, #tpu.memory_space<vmem>>) offsets(%arg10 : memref<640xi32, #tpu.memory_space<vmem>>) semaphore(%arg14 : memref<!tpu.dma_semaphore, #tpu.memory_space<semaphore_mem>>)
      %mul3A_127 = arith.constant 640 : i32
      %mul3A_128 = arith.muli %add3A_102, %mul3A_127 : i32
      %add3A_129 = arith.addi %mul3A_2, %mul3A_128 : i32
      %dma_start3A_130 = arith.constant 0 : i32
      %dma_start3A_131 = tpu.memref_slice %arg6[%add3A_129, %dma_start3A_130] : memref<819200x128xf32, #tpu.memory_space<hbm>> -> memref<640x64xf32, #tpu.memory_space<hbm>>
      %dma_start3A_132 = arith.constant 0 : i32
      %dma_start3A_133 = tpu.memref_slice %arg6[%add3A_129, %dma_start3A_132] : memref<819200x128xf32, #tpu.memory_space<hbm>> -> memref<640x64xf32, #tpu.memory_space<hbm>>
      tpu.enqueue_dma source(%arg13 : memref<640x64xf32, #tpu.memory_space<vmem>>) target(%dma_start3A_133 : memref<640x64xf32, #tpu.memory_space<hbm>>) target_semaphore(%arg17 : memref<!tpu.dma_semaphore, #tpu.memory_space<semaphore_mem>>)
      %mul3A_134 = arith.constant 2 : i32
      %mul3A_135 = arith.muli %mul3A_134, %scan3A_98 : i32
      %add3A_136 = arith.constant 2 : i32
      %add3A_137 = arith.addi %mul3A_135, %add3A_136 : i32
      %dma_wait3A_138 = arith.constant 0 : i32
      %dma_wait3A_139 = arith.constant 0 : i32
      %dma_wait3A_140 = tpu.memref_slice %arg4[%dma_wait3A_138, %dma_wait3A_139] : memref<2000000x64xf32, #tpu.memory_space<hbm>> -> memref<2000000x64xf32, #tpu.memory_space<hbm>>
      tpu.wait_indirect_dma semaphore(%arg14 : memref<!tpu.dma_semaphore, #tpu.memory_space<semaphore_mem>>) src(%dma_wait3A_140 : memref<2000000x64xf32, #tpu.memory_space<hbm>>) dst(%arg12 : memref<640x64xf32, #tpu.memory_space<vmem>>)
      %add3A_141 = arith.constant 1 : i32
      %add3A_142 = arith.addi %add3A_137, %add3A_141 : i32
      %scan3A_143 = arith.constant 0 : i32
      %scan3A_144 = arith.constant 0 : i32
      %scan3A_145 = arith.constant 40 : i32
      %scan3A_146 = arith.addi %scan3A_144, %scan3A_145 : i32
      %scan3A_147 = arith.constant 1 : i32
      scf.for %scan3A_170 = %scan3A_144 to %scan3A_146 step %scan3A_147  : i32 {
        %mul3A_171 = arith.constant 640 : i32
        %mul3A_172 = arith.muli %add3A_142, %mul3A_171 : i32
        %mul3A_173 = arith.constant 16 : i32
        %mul3A_174 = arith.muli %scan3A_170, %mul3A_173 : i32
        %add3A_175 = arith.addi %mul3A_172, %mul3A_174 : i32
        %get3A = arith.index_cast %add3A_175 : i32 to index
        %get3A_176 = tpu.vector_load %arg8[%get3A] {strides = array<i32>} : memref<25600xi32, #tpu.memory_space<vmem>>, vector<16xi32>,
        %shift_left3A = arith.constant 1 : i32
        %shift_left3A_177 = vector.broadcast %shift_left3A : i32 to vector<16xi32>
        %shift_left3A_178 = arith.shli %get3A_176, %shift_left3A_177 : vector<16xi32>
        %mul3A_179 = arith.constant 16 : i32
        %mul3A_180 = arith.muli %scan3A_170, %mul3A_179 : i32
        %swap3A = arith.index_cast %mul3A_180 : i32 to index
        %swap3A_181 = tpu.vector_load %arg11[%swap3A] {strides = array<i32>} : memref<640xi32, #tpu.memory_space<vmem>>, vector<16xi32>,
        tpu.vector_store %arg11[%swap3A], %shift_left3A_178 {strides = array<i32>} : memref<640xi32, #tpu.memory_space<vmem>>, vector<16xi32>,
      }
      %scan3A_148 = arith.constant 40 : i32
      %sub3A_149 = arith.constant 1 : i32
      %sub3A_150 = arith.subi %add3A_137, %sub3A_149 : i32
      %mul3A_151 = arith.constant 640 : i32
      %mul3A_152 = arith.muli %sub3A_150, %mul3A_151 : i32
      %add3A_153 = arith.addi %mul3A_2, %mul3A_152 : i32
      %dma_wait3A_154 = arith.constant 0 : i32
      %dma_wait3A_155 = tpu.memref_slice %arg6[%add3A_153, %dma_wait3A_154] : memref<819200x128xf32, #tpu.memory_space<hbm>> -> memref<640x64xf32, #tpu.memory_space<hbm>>
      %dma_wait3A_156 = arith.constant 0 : i32
      %dma_wait3A_157 = tpu.memref_slice %arg6[%add3A_153, %dma_wait3A_156] : memref<819200x128xf32, #tpu.memory_space<hbm>> -> memref<640x64xf32, #tpu.memory_space<hbm>>
      tpu.wait_dma2 semaphore(%arg17 : memref<!tpu.dma_semaphore, #tpu.memory_space<semaphore_mem>>) src(%arg13 : memref<640x64xf32, #tpu.memory_space<vmem>>) dst(%dma_wait3A_157 : memref<640x64xf32, #tpu.memory_space<hbm>>)
      %add3A_158 = arith.constant 1 : i32
      %add3A_159 = arith.addi %add3A_137, %add3A_158 : i32
      %dma_start3A_160 = arith.constant 0 : i32
      %dma_start3A_161 = arith.constant 0 : i32
      %dma_start3A_162 = tpu.memref_slice %arg4[%dma_start3A_160, %dma_start3A_161] : memref<2000000x64xf32, #tpu.memory_space<hbm>> -> memref<2000000x64xf32, #tpu.memory_space<hbm>>
      tpu.enqueue_indirect_dma source(%dma_start3A_162 : memref<2000000x64xf32, #tpu.memory_space<hbm>>) target(%arg13 : memref<640x64xf32, #tpu.memory_space<vmem>>) offsets(%arg11 : memref<640xi32, #tpu.memory_space<vmem>>) semaphore(%arg15 : memref<!tpu.dma_semaphore, #tpu.memory_space<semaphore_mem>>)
      %mul3A_163 = arith.constant 640 : i32
      %mul3A_164 = arith.muli %add3A_137, %mul3A_163 : i32
      %add3A_165 = arith.addi %mul3A_2, %mul3A_164 : i32
      %dma_start3A_166 = arith.constant 0 : i32
      %dma_start3A_167 = tpu.memref_slice %arg6[%add3A_165, %dma_start3A_166] : memref<819200x128xf32, #tpu.memory_space<hbm>> -> memref<640x64xf32, #tpu.memory_space<hbm>>
      %dma_start3A_168 = arith.constant 0 : i32
      %dma_start3A_169 = tpu.memref_slice %arg6[%add3A_165, %dma_start3A_168] : memref<819200x128xf32, #tpu.memory_space<hbm>> -> memref<640x64xf32, #tpu.memory_space<hbm>>
      tpu.enqueue_dma source(%arg12 : memref<640x64xf32, #tpu.memory_space<vmem>>) target(%dma_start3A_169 : memref<640x64xf32, #tpu.memory_space<hbm>>) target_semaphore(%arg16 : memref<!tpu.dma_semaphore, #tpu.memory_space<semaphore_mem>>)
    }
    %scan3A_34 = arith.constant 19 : i32
    %dma_wait3A_35 = arith.constant 0 : i32
    %dma_wait3A_36 = arith.constant 0 : i32
    %dma_wait3A_37 = tpu.memref_slice %arg4[%dma_wait3A_35, %dma_wait3A_36] : memref<2000000x64xf32, #tpu.memory_space<hbm>> -> memref<2000000x64xf32, #tpu.memory_space<hbm>>
    tpu.wait_indirect_dma semaphore(%arg15 : memref<!tpu.dma_semaphore, #tpu.memory_space<semaphore_mem>>) src(%dma_wait3A_37 : memref<2000000x64xf32, #tpu.memory_space<hbm>>) dst(%arg13 : memref<640x64xf32, #tpu.memory_space<vmem>>)
    %add3A_38 = arith.constant 24320 : i32
    %add3A_39 = arith.addi %mul3A_2, %add3A_38 : i32
    %dma_wait3A_40 = arith.constant 0 : i32
    %dma_wait3A_41 = tpu.memref_slice %arg6[%add3A_39, %dma_wait3A_40] : memref<819200x128xf32, #tpu.memory_space<hbm>> -> memref<640x64xf32, #tpu.memory_space<hbm>>
    %dma_wait3A_42 = arith.constant 0 : i32
    %dma_wait3A_43 = tpu.memref_slice %arg6[%add3A_39, %dma_wait3A_42] : memref<819200x128xf32, #tpu.memory_space<hbm>> -> memref<640x64xf32, #tpu.memory_space<hbm>>
    tpu.wait_dma2 semaphore(%arg16 : memref<!tpu.dma_semaphore, #tpu.memory_space<semaphore_mem>>) src(%arg12 : memref<640x64xf32, #tpu.memory_space<vmem>>) dst(%dma_wait3A_43 : memref<640x64xf32, #tpu.memory_space<hbm>>)
    %add3A_44 = arith.constant 24960 : i32
    %add3A_45 = arith.addi %mul3A_2, %add3A_44 : i32
    %dma_start3A_46 = arith.constant 0 : i32
    %dma_start3A_47 = tpu.memref_slice %arg6[%add3A_45, %dma_start3A_46] : memref<819200x128xf32, #tpu.memory_space<hbm>> -> memref<640x64xf32, #tpu.memory_space<hbm>>
    %dma_start3A_48 = arith.constant 0 : i32
    %dma_start3A_49 = tpu.memref_slice %arg6[%add3A_45, %dma_start3A_48] : memref<819200x128xf32, #tpu.memory_space<hbm>> -> memref<640x64xf32, #tpu.memory_space<hbm>>
    tpu.enqueue_dma source(%arg13 : memref<640x64xf32, #tpu.memory_space<vmem>>) target(%dma_start3A_49 : memref<640x64xf32, #tpu.memory_space<hbm>>) target_semaphore(%arg17 : memref<!tpu.dma_semaphore, #tpu.memory_space<semaphore_mem>>)
    %add3A_50 = arith.constant 24960 : i32
    %add3A_51 = arith.addi %mul3A_2, %add3A_50 : i32
    %dma_wait3A_52 = arith.constant 0 : i32
    %dma_wait3A_53 = tpu.memref_slice %arg6[%add3A_51, %dma_wait3A_52] : memref<819200x128xf32, #tpu.memory_space<hbm>> -> memref<640x64xf32, #tpu.memory_space<hbm>>
    %dma_wait3A_54 = arith.constant 0 : i32
    %dma_wait3A_55 = tpu.memref_slice %arg6[%add3A_51, %dma_wait3A_54] : memref<819200x128xf32, #tpu.memory_space<hbm>> -> memref<640x64xf32, #tpu.memory_space<hbm>>
    tpu.wait_dma2 semaphore(%arg17 : memref<!tpu.dma_semaphore, #tpu.memory_space<semaphore_mem>>) src(%arg13 : memref<640x64xf32, #tpu.memory_space<vmem>>) dst(%dma_wait3A_55 : memref<640x64xf32, #tpu.memory_space<hbm>>)
    %scan3A_56 = arith.constant 0 : i32
    %scan3A_57 = arith.constant 0 : i32
    %scan3A_58 = arith.constant 32 : i32
    %scan3A_59 = arith.addi %scan3A_57, %scan3A_58 : i32
    %scan3A_60 = arith.constant 1 : i32
    scf.for %scan3A_98 = %scan3A_57 to %scan3A_59 step %scan3A_60  : i32 {
      %mul3A_99 = arith.constant 16 : i32
      %mul3A_100 = arith.muli %scan3A_98, %mul3A_99 : i32
      %get3A = arith.index_cast %mul3A_100 : i32 to index
      %get3A_101 = tpu.vector_load %arg9[%get3A] {strides = array<i32>} : memref<512xi32, #tpu.memory_space<vmem>>, vector<16xi32>,
      %shift_left3A = arith.constant 1 : i32
      %shift_left3A_102 = vector.broadcast %shift_left3A : i32 to vector<16xi32>
      %shift_left3A_103 = arith.shli %get3A_101, %shift_left3A_102 : vector<16xi32>
      %mul3A_104 = arith.constant 16 : i32
      %mul3A_105 = arith.muli %scan3A_98, %mul3A_104 : i32
      %swap3A = arith.index_cast %mul3A_105 : i32 to index
      %swap3A_106 = tpu.vector_load %arg10[%swap3A] {strides = array<i32>} : memref<640xi32, #tpu.memory_space<vmem>>, vector<16xi32>,
      tpu.vector_store %arg10[%swap3A], %shift_left3A_103 {strides = array<i32>} : memref<640xi32, #tpu.memory_space<vmem>>, vector<16xi32>,
    }
    %scan3A_61 = arith.constant 32 : i32
    %dma_start3A_62 = arith.constant 0 : i32
    %dma_start3A_63 = arith.constant 0 : i32
    %dma_start3A_64 = tpu.memref_slice %arg12[%dma_start3A_62, %dma_start3A_63] : memref<640x64xf32, #tpu.memory_space<vmem>> -> memref<512x64xf32, #tpu.memory_space<vmem>>
    %dma_start3A_65 = arith.constant 0 : i32
    %dma_start3A_66 = tpu.memref_slice %arg10[%dma_start3A_65] : memref<640xi32, #tpu.memory_space<vmem>> -> memref<512xi32, #tpu.memory_space<vmem>>
    %dma_start3A_67 = arith.constant 0 : i32
    %dma_start3A_68 = arith.constant 0 : i32
    %dma_start3A_69 = tpu.memref_slice %arg5[%dma_start3A_67, %dma_start3A_68] : memref<200000x64xf32, #tpu.memory_space<hbm>> -> memref<200000x64xf32, #tpu.memory_space<hbm>>
    tpu.enqueue_indirect_dma source(%dma_start3A_69 : memref<200000x64xf32, #tpu.memory_space<hbm>>) target(%dma_start3A_64 : memref<512x64xf32, #tpu.memory_space<vmem>>) offsets(%dma_start3A_66 : memref<512xi32, #tpu.memory_space<vmem>>) semaphore(%arg14 : memref<!tpu.dma_semaphore, #tpu.memory_space<semaphore_mem>>)
    %dma_wait3A_70 = arith.constant 0 : i32
    %dma_wait3A_71 = arith.constant 0 : i32
    %dma_wait3A_72 = tpu.memref_slice %arg12[%dma_wait3A_70, %dma_wait3A_71] : memref<640x64xf32, #tpu.memory_space<vmem>> -> memref<512x64xf32, #tpu.memory_space<vmem>>
    %dma_wait3A_73 = arith.constant 0 : i32
    %dma_wait3A_74 = tpu.memref_slice %arg10[%dma_wait3A_73] : memref<640xi32, #tpu.memory_space<vmem>> -> memref<512xi32, #tpu.memory_space<vmem>>
    %dma_wait3A_75 = arith.constant 0 : i32
    %dma_wait3A_76 = arith.constant 0 : i32
    %dma_wait3A_77 = tpu.memref_slice %arg5[%dma_wait3A_75, %dma_wait3A_76] : memref<200000x64xf32, #tpu.memory_space<hbm>> -> memref<200000x64xf32, #tpu.memory_space<hbm>>
    tpu.wait_indirect_dma semaphore(%arg14 : memref<!tpu.dma_semaphore, #tpu.memory_space<semaphore_mem>>) src(%dma_wait3A_77 : memref<200000x64xf32, #tpu.memory_space<hbm>>) dst(%dma_wait3A_72 : memref<512x64xf32, #tpu.memory_space<vmem>>)
    %dma_start3A_78 = arith.constant 0 : i32
    %dma_start3A_79 = arith.constant 0 : i32
    %dma_start3A_80 = tpu.memref_slice %arg12[%dma_start3A_78, %dma_start3A_79] : memref<640x64xf32, #tpu.memory_space<vmem>> -> memref<512x64xf32, #tpu.memory_space<vmem>>
    %dma_start3A_81 = arith.constant 0 : i32
    %dma_start3A_82 = tpu.memref_slice %arg7[%mul3A_4, %dma_start3A_81] : memref<16384x128xf32, #tpu.memory_space<hbm>> -> memref<512x64xf32, #tpu.memory_space<hbm>>
    %dma_start3A_83 = arith.constant 0 : i32
    %dma_start3A_84 = tpu.memref_slice %arg7[%mul3A_4, %dma_start3A_83] : memref<16384x128xf32, #tpu.memory_space<hbm>> -> memref<512x64xf32, #tpu.memory_space<hbm>>
    %dma_start3A_85 = arith.constant 0 : i32
    %dma_start3A_86 = arith.constant 0 : i32
    %dma_start3A_87 = tpu.memref_slice %arg12[%dma_start3A_85, %dma_start3A_86] : memref<640x64xf32, #tpu.memory_space<vmem>> -> memref<512x64xf32, #tpu.memory_space<vmem>>
    tpu.enqueue_dma source(%dma_start3A_87 : memref<512x64xf32, #tpu.memory_space<vmem>>) target(%dma_start3A_84 : memref<512x64xf32, #tpu.memory_space<hbm>>) target_semaphore(%arg16 : memref<!tpu.dma_semaphore, #tpu.memory_space<semaphore_mem>>)
    %dma_wait3A_88 = arith.constant 0 : i32
    %dma_wait3A_89 = arith.constant 0 : i32
    %dma_wait3A_90 = tpu.memref_slice %arg12[%dma_wait3A_88, %dma_wait3A_89] : memref<640x64xf32, #tpu.memory_space<vmem>> -> memref<512x64xf32, #tpu.memory_space<vmem>>
    %dma_wait3A_91 = arith.constant 0 : i32
    %dma_wait3A_92 = tpu.memref_slice %arg7[%mul3A_4, %dma_wait3A_91] : memref<16384x128xf32, #tpu.memory_space<hbm>> -> memref<512x64xf32, #tpu.memory_space<hbm>>
    %dma_wait3A_93 = arith.constant 0 : i32
    %dma_wait3A_94 = tpu.memref_slice %arg7[%mul3A_4, %dma_wait3A_93] : memref<16384x128xf32, #tpu.memory_space<hbm>> -> memref<512x64xf32, #tpu.memory_space<hbm>>
    %dma_wait3A_95 = arith.constant 0 : i32
    %dma_wait3A_96 = arith.constant 0 : i32
    %dma_wait3A_97 = tpu.memref_slice %arg12[%dma_wait3A_95, %dma_wait3A_96] : memref<640x64xf32, #tpu.memory_space<vmem>> -> memref<512x64xf32, #tpu.memory_space<vmem>>
    tpu.wait_dma2 semaphore(%arg16 : memref<!tpu.dma_semaphore, #tpu.memory_space<semaphore_mem>>) src(%dma_wait3A_97 : memref<512x64xf32, #tpu.memory_space<vmem>>) dst(%dma_wait3A_94 : memref<512x64xf32, #tpu.memory_space<hbm>>)
    return
  }
}

</mosaic_0001>

<sc_bundles>
// kernel: kernel.3.cloned.1.call-start
scs
__scs_entry_jumppad:
0x0: {  	(pc) =	sbr.rel $0x88, $3  }
0x1: {  	(tag) =	ssettag $0x0;
	lr =	simm.s32 $0x1  }
0x2: {  	[smem:$0x3F9D] =	sst lr;
	_ =	strace $0xD0000000  }
0x3: {  	_ = 	snop  }
0x4: {  	_ = 	snop  }
0x5: {  	_ = 	snop  }
0x6: {  	_ = 	snop  }
0x7: {  	_ = 	snop  }
__scs_overlays_trampoline_lowered:
0x8: {  	[smem:$0x3FAC] =	sst s0  }
0x9: {  	[smem:$0x3FAD] =	sst s1  }
0xa: {  	[smem:$0x3FAE] =	sst s2  }
0xb: {  	[smem:$0x3FAF] =	sst s3  }
0xc: {  	[smem:$0x3FB0] =	sst s4  }
0xd: {  	[smem:$0x3FB1] =	sst s5  }
0xe: {  	[smem:$0x3FB2] =	sst s6  }
0xf: {  	[smem:$0x3FB3] =	sst s7  }
0x10: {  	[smem:$0x3FB4] =	sst s8  }
0x11: {  	[smem:$0x3FB5] =	sst s9;
	s0 =	simm.s32 @!p0 $0x0  }
0x12: {  	s1 =	sld [smem:$0x3F9B];
	s0 =	simm.s32 @p0 $0x1  }
0x13: {  	[smem:$0x3FB6] =	sst s0;
	s0 =	simm.s32 @!p1 $0x0  }
0x14: {  	s2 =	sld [smem:$0x3F9A];
	s0 =	simm.s32 @p1 $0x1  }
0x15: {  	[smem:$0x3FB7] =	sst s0;
	s0 =	simm.s32 @!p2 $0x0  }
0x16: {  	s3 =	sld [smem:$0x3FDB];
	s0 =	simm.s32 @p2 $0x1  }
0x17: {  	s4 =	simm.s32 $0x1BF5;
	[smem:$0x3FB9] =	sst s0  }
0x18: {  	s0 =	sld [smem:$0x3F9C];
	_ =	swait.ge [sflag:s4], $0x0  }
0x19: {  	s7 =	sld [smem:$0x3F9D]  }
0x1a: {  	s8 =	sadd.s32 $0xFFFFE003, lr  }
0x1b: {  	s9 =	sadd.s32 $0xFFFFFEF7, lr;
	s5 =	simm.s32 $0xFFFFFFFF;
	p2 =	slt.u32 s8, $0xFFFFF086  }
0x1c: {  	p1 =	slt.u32 s9, $0xF7A;
	s5 =	simm.s32 @!p2 $0x0  }
0x1d: {  	s5 =	simm.s32 @p1 $0x1;
	p0 =	seq.s32 s7, s2  }
0x1e: {  	s7 =	smul.u32 @!p0 $0xF7A, s2;
	p2 =	seq.s32 @!p0 s5, $0x0  }
0x1f: {  	s9 =	smul.u32 $0xF7A, s1;
	s8 =	simm.s32 @!p0 $0x1BF5;
	p2 =	por !p2, p0  }
0x20: {  	[sflag:s8] =	ssyncset.s32 @!p0 $0xFFFFF086;
	s6 =	sadd.s32 @!p0 s3, s7;
	s7 =	simm.s32 @!p0 $0x108  }
0x21: {  	s3 =	sadd.s32 s3, s9;
	s6 =	sadd.s32 @!p0 $0x88, s6;
	s7 =	simm.s32 @p2 $0x1082  }
0x22: {  	[simem:s7], [sflag:s8] =	dma.local @!p0 [hbm:s6], $0xF7A  }
0x23: {  	s9 =	sor.u32 $0xD0000000, s2;
	s6 =	simm.s32 $0x108;
	_ =	swait.ge @!p0 [sflag:s8], $0x0  }
0x24: {  	s3 =	sadd.s32 $0x88, s3;
	s6 =	simm.s32 @!p1 $0x1082;
	[sflag:s4] =	ssyncset.s32 $0xFFFFF086  }
0x25: {  	[simem:s6], [sflag:s4] =	dma.local [hbm:s3], $0xF7A  }
0x26: {  	[smem:$0x3F9D] =	sst s1;
	(tag) =	ssettag s2;
	_ =	strace s9  }
0x27: {  	s1 =	sld [smem:$0x3FAD]  }
0x28: {  	s2 =	sld [smem:$0x3FAE]  }
0x29: {  	s4 =	sld [smem:$0x3FB0]  }
0x2a: {  	p0 =	seq.s32 s5, $0x0;
	s5 =	sld [smem:$0x3FB1]  }
0x2b: {  	s6 =	sld [smem:$0x3FB2]  }
0x2c: {  	s7 =	sld [smem:$0x3FB3]  }
0x2d: {  	s3 =	simm.s32 $0x108;
	s8 =	sld [smem:$0x3FB4]  }
0x2e: {  	s3 =	simm.s32 @!p0 $0x1082;
	s9 =	sld [smem:$0x3FB5]  }
0x2f: {  	lr =	sadd.s32 s0, s3;
	s0 =	sld [smem:$0x3FAC]  }
0x30: {  	s3 =	sld [smem:$0x3FAF]  }
0x31: {  	[smem:$0x3FB8] =	sst s10  }
0x32: {  	s10 =	sld [smem:$0x3FB6];
	_ =	sdelay $0x3  }
0x33: {  	p0 =	seq.s32 s10, $0x1;
	s10 =	sld [smem:$0x3FB8];
	_ =	sdelay $0x3  }
0x34: {  	[smem:$0x3FB8] =	sst s10  }
0x35: {  	s10 =	sld [smem:$0x3FB7];
	_ =	sdelay $0x3  }
0x36: {  	p1 =	seq.s32 s10, $0x1;
	s10 =	sld [smem:$0x3FB8];
	_ =	sdelay $0x3  }
0x37: {  	[smem:$0x3FB8] =	sst s10  }
0x38: {  	s10 =	sld [smem:$0x3FB9]  }
0x39: {  	_ = 	snop;
	(pc) =	sbr.ind lr, $3  }
0x3a: {  	_ = 	snop  }
0x3b: {  	_ = 	snop  }
0x3c: {  	p2 =	seq.s32 s10, $0x1;
	s10 =	sld [smem:$0x3FB8]  }
0x3d: {  	_ =	shalt  }
0x3e: {  	_ =	shalt  }
0x3f: {  	_ =	shalt  }
0x40: {  	_ =	shalt  }
0x41: {  	_ =	shalt  }
0x42: {  	_ =	shalt  }
0x43: {  	_ =	shalt  }
0x44: {  	_ =	shalt  }
0x45: {  	_ =	shalt  }
0x46: {  	_ =	shalt  }
0x47: {  	_ =	shalt  }
0x48: {  	_ =	shalt  }
0x49: {  	_ =	shalt  }
0x4a: {  	_ =	shalt  }
0x4b: {  	_ =	shalt  }
0x4c: {  	_ =	shalt  }
0x4d: {  	_ =	shalt  }
0x4e: {  	_ =	shalt  }
0x4f: {  	_ =	shalt  }
0x50: {  	_ =	shalt  }
0x51: {  	_ =	shalt  }
0x52: {  	_ =	shalt  }
0x53: {  	_ =	shalt  }
0x54: {  	_ =	shalt  }
0x55: {  	_ =	shalt  }
0x56: {  	_ =	shalt  }
0x57: {  	_ =	shalt  }
0x58: {  	_ =	shalt  }
0x59: {  	_ =	shalt  }
0x5a: {  	_ =	shalt  }
0x5b: {  	_ =	shalt  }
0x5c: {  	_ =	shalt  }
0x5d: {  	_ =	shalt  }
0x5e: {  	_ =	shalt  }
0x5f: {  	_ =	shalt  }
0x60: {  	_ =	shalt  }
0x61: {  	_ =	shalt  }
0x62: {  	_ =	shalt  }
0x63: {  	_ =	shalt  }
0x64: {  	_ =	shalt  }
0x65: {  	_ =	shalt  }
0x66: {  	_ =	shalt  }
0x67: {  	_ =	shalt  }
0x68: {  	_ =	shalt  }
0x69: {  	_ =	shalt  }
0x6a: {  	_ =	shalt  }
0x6b: {  	_ =	shalt  }
0x6c: {  	_ =	shalt  }
0x6d: {  	_ =	shalt  }
0x6e: {  	_ =	shalt  }
0x6f: {  	_ =	shalt  }
0x70: {  	_ =	shalt  }
0x71: {  	_ =	shalt  }
0x72: {  	_ =	shalt  }
0x73: {  	_ =	shalt  }
0x74: {  	_ =	shalt  }
0x75: {  	_ =	shalt  }
0x76: {  	_ =	shalt  }
0x77: {  	_ =	shalt  }
0x78: {  	_ =	shalt  }
0x79: {  	_ =	shalt  }
0x7a: {  	_ =	shalt  }
0x7b: {  	_ =	shalt  }
0x7c: {  	_ =	shalt  }
0x7d: {  	_ =	shalt  }
0x7e: {  	_ =	shalt  }
0x7f: {  	_ =	shalt  }
0x80: {  	_ =	shalt  }
0x81: {  	_ =	shalt  }
0x82: {  	_ =	shalt  }
0x83: {  	_ =	shalt  }
0x84: {  	_ =	shalt  }
0x85: {  	_ =	shalt  }
0x86: {  	_ =	shalt  }
0x87: {  	_ =	shalt  }
.Lfunc_end0:
.L_simem_size_0:
called_computation.2_lowered:
.L_overlay_start_0:
0x88: {  	s2 =	sld [smem:$0x3FD9]  }
0x89: {  	s3 =	sld [smem:$0x3FFE];
	_ =	sdelay $0x1  }
0x8a: {  	s1 =	srdreg.scid  }
0x8b: {  	s0 =	sand.u32 $0x1, s1  }
0x8c: {  	s17 =	sshll.u32 s0, $0xA;
	s2 =	sadd.s32 s3, s2  }
0x8d: {  	s2 =	sadd.s32 s2, s17  }
0x8e: {  	[smem:$0x3FC4] =	sst s2  }
0x8f: {  	_ = 	snop  }
0x90: {  	s2 =	sld [smem:$0x3FC9]  }
0x91: {  	s18 =	sld [smem:$0x3FC8];
	(tm) =	ssettm $0x1  }
0x92: {  	s4 =	sld [smem:$0x3FFB];
	_ =	sdelay $0x3  }
0x93: {  	_ =	strace s4  }
0x94: {  	s4 =	sld [smem:$0x3FFC];
	_ =	sdelay $0x3  }
0x95: {  	_ =	strace s4  }
0x96: {  	s4 =	sld [smem:$0x3FFD];
	_ =	sdelay $0x3  }
0x97: {  	_ =	strace s4  }
0x98: {  	_ =	strace $0x8FFFFFFF  }
0x99: {  	s19 =	sld [smem:$0x3FDB];
	_ =	sdelay $0x1  }
0x9a: {  	s5 =	simm.s32 $_scs_section_size  }
0x9b: {  	s6 =	simm.s32 $_size__tile_overlayer_lowered;
	s7 =	simm.s32 $_tile_overlayer_lowered  }
0x9c: {  	s22 =	simm.s32 $0x1BFF;
	s21 =	sshll.u32 s7, $0x1;
	s4 =	sadd.s32 s5, s19  }
0x9d: {  	s8 =	simm.s32 $0x0;
	s20 =	sshll.u32 s6, $0x1;
	s6 =	sadd.s32 s21, s4  }
0x9e: {  	[timem:s8], [sflag:s22] =	dma.local [hbm:s6], s20  }
0x9f: {  	_ =	swait.ge [sflag:s22], s20  }
0xa0: {  	s5 =	ssub.s32 $0x0, s20;
	[sflag:s22] =	ssyncset.done $0x0  }
0xa1: {  	[sflag:s22] =	ssyncadd.s32 s5;
	_ =	sdelay $0x1  }
0xa2: {  	s23 =	simm.s32 $0x1B8B  }
0xa3: {  	_ =	swait.ge [sflag:s23], $0x1  }
0xa4: {  	[sflag:s23] =	ssyncset.done $0x0  }
0xa5: {  	s25 =	simm.s32 $0x1B8E;
	s24 =	sld [smem:$0x3FFE];
	[sflag:s23] =	ssyncadd.s32 $0xFFFFFFFF  }
0xa6: {  	s26 =	simm.s32 $execute0_lowered;
	[smem:$0x3FD2] =	sst s25  }
0xa7: {  	s6 =	sshll.u32 s26, $0x1;
	_ =	strace $0x80000049;
	[dreg:$0x1] =	wrdreg $0xFFFFFFFF  }
0xa8: {  	s28 =	simm.s32 $_size_execute0_lowered;
	s4 =	sadd.s32 s4, s6;
	[dreg:$0x0] =	wrdreg $0x0  }
0xa9: {  	s6 =	sshll.u32 s28, $0x1;
	[dreg:$0x2] =	wrdreg s4  }
0xaa: {  	[dreg:$0x3] =	wrdreg s6  }
0xab: {  	[dreg:$0x4] =	wrdreg $0xC0  }
0xac: {  	_ =	task [dreg:s8], $0x5FFFF  }
0xad: {  	[dreg:$0x1] =	wrdreg $0xFFFFFFFF  }
0xae: {  	[dreg:$0x0] =	wrdreg $0x60  }
0xaf: {  	[dreg:$0x2] =	wrdreg s2  }
0xb0: {  	[dreg:$0x3] =	wrdreg s18  }
0xb1: {  	[dreg:$0x4] =	wrdreg s24  }
0xb2: {  	[dreg:$0x5] =	wrdreg $0x9  }
0xb3: {  	_ =	task.clear_ibuf [dreg:s8], $0x6FFFF;
	_ =	strace $0x90000049  }
0xb4: {  	s29 =	simm.s32 $0x9;
	_ =	strace $0x8000004B  }
0xb5: {  	_ =	swait.ge [sflag:s29], $0x1  }
0xb6: {  	[sflag:s29] =	ssyncadd.s32 $0xFFFFFFFF  }
0xb7: {  	_ =	strace $0x9000004B  }
0xb8: {  	_ =	sfence  }
0xb9: {  	s30 =	sld [smem:$0x0];
	_ =	sdelay $0x2  }
0xba: {  	s31 =	sshll.u32 s1, $0xD;
	s1 =	sshrl.u32 s1, $0x2  }
0xbb: {  	s3 =	sand.u32 $0x4000, s31;
	s1 =	sadd.s32 s1, s30  }
0xbc: {  	s0 =	sor.u32 s3, s0;
	s1 =	sshll.u32 s1, $0x11  }
0xbd: {  	s0 =	sor.u32 s1, s0  }
0xbe: {  	s0 =	sadd.s32 $0x8F2B, s0  }
0xbf: {  	[sflag:s0] =	ssyncadd.remote.s32 $0x1  }
0xc0: {  	_ =	sfence.sel $0xFFFF  }
0xc1: {  	[dreg:$0x0] =	wrdreg $0xFFFFFFFF;
	(pc) =	sbr.abs _section_cstart, $3  }
0xc2: {  	[dreg:$0x1] =	wrdreg $0xFFFFFFFF  }
0xc3: {  	_ =	task.clear_ibuf [dreg:s8], $0x2FFFF;
	_ =	strace $0x9FFFFFFF  }
0xc4: {  	(tm) =	ssettm $0x7FFFFFFF  }
0xc5: {  	_ =	shalt  }
tec
execute0_lowered:
.L_overlay_start_1:
0x0: {  	(tag) =	ssettag $0x1  }
0x1: {  	s0 =	rddreg [dreg:$0x0]  }
0x2: {  	s2 =	rddreg [dreg:$0x1]  }
0x3: {  	s7 =	rddreg [dreg:$0x2];
	s1 =	simm.s32 $0x0  }
0x4: {  	s5 =	srdreg.scid;
	s8 =	stileid.u32;
	s15 =	simm.s32 $0x5  }
0x5: {  	s16 =	simm.s32 $0x280;
	s17 =	simm.s32 $0x6600;
	s18 =	simm.s32 $0x6B00  }
0x6: {  	s19 =	simm.s32 $0x1;
	s20 =	simm.s32 $0x6880;
	s21 =	simm.s32 $0x10B00  }
0x7: {  	s22 =	simm.s32 $0x40;
	s23 =	simm.s32 $0x80;
	s24 =	simm.s32 $0x2  }
0x8: {  	s29 =	simm.s32 $0x0;
	[smem:$0x7FF] =	sst s1;
	s3 =	sadd.s32 $0x10CA200, s7  }
0x9: {  	s4 =	sadd.s32 $0xF43800, s7;
	s6 =	sand.u32 $0x1, s5;
	s8 =	sshll.u32 s8, $0x1  }
0xa: {  	s5 =	sadd.s32 $0x41400, s7;
	_ =	strace $0x8000004A;
	s8 =	sor.u32 s6, s8  }
0xb: {  	s9 =	ssub.s32 $0x2, s6;
	s10 =	sshll.u32 s8, $0xD;
	s6 =	smul.u32 $0x6400, s8  }
0xc: {  	s11 =	sshrl.u32 s9, $0x1;
	s25 =	smul.u32 $0x320000, s8;
	s26 =	sshll.u32 s8, $0x6  }
0xd: {  	s30 =	smul.u32 $0x64000, s8;
	s12 =	sadd.s32 s10, s7;
	s13 =	ssub.s32 s9, s11  }
0xe: {  	s7 =	sadd.s32 s2, s26;
	s26 =	simm.s32 $0x4;
	s28 =	sshrl.u32 s6, $0x3  }
0xf: {  	s31 =	sshrl.u32 s25, $0x3;
	s9 =	sadd.s32 s5, s30;
	s10 =	sor.u32 $0x280, s6  }
0x10: {  	s12 =	sadd.s32 $0x1400, s12;
	s8 =	sadd.s32 s0, s28;
	s0 =	sadd.s32 s5, s31  }
0x11: {  	s13 =	smax.u32 s13, $0x1;
	s25 =	simm.s32 $0x3;
	s11 =	sadd.s32 $0x61800, s0  }
.LBB2_1:
0x12: {  	s0 =	simm.s32 $0x6400  }
0x13: {  	[tilespmem:s0], [sflag:$0x5] =	stream.linear.gather [hbm4b:s7+s1], $0x200, $0x38;
	[tilespmem:$0x1AB00] =	vst v63  }
0x14: {  	_ =	swait.ge [sflag:s15], $0x200  }
0x15: {  	[sflag:s15] =	ssyncset.done $0x0  }
0x16: {  	[sflag:s15] =	ssyncadd.s32 $0xFFFFFE00  }
0x17: {  	[tilespmem:s1], [sflag:$0x5] =	stream.linear.gather [hbm4b:s8+s1], $0x6400, $0x38;
	[tilespmem:$0x1AB00] =	vst v63  }
0x18: {  	_ =	swait.ge [sflag:s15], $0x6400  }
0x19: {  	[sflag:s15] =	ssyncset.done $0x0  }
0x1a: {  	s0 =	simm.s32 $0x0;
	[sflag:s15] =	ssyncadd.s32 $0xFFFF9C00  }
0x1b: {  	s2 =	simm.s32 $0x40;
	v0 =	vld [tilespmem:s0+$0x0]  }
.LBB2_2:
0x1c: {  	p0 =	sne.s32 s2, $0x9C0  }
.Ltmp0:
0x1d: {  	_ = 	snop;
	(pc) =	sbr.rel @p0 .LBB2_2-.Ltmp0, $3  }
0x1e: {  	_ =	sdelay $0x1  }
0x1f: {  	s14 =	sshra.s32 s2, $0x2;
	s2 =	sadd.s32 $0x40, s2;
	v1 =	vshll.u32 v0, $0x1  }
0x20: {  	v0 =	vld [tilespmem:s14+$0x0];
	[tilespmem:s0+$0x6600] =	vst v1;
	s0 =	smov.u32 s14  }
0x21: {  	_ =	sdelay $0x3  }
0x22: {  	v0 =	vshll.u32 v0, $0x1  }
0x23: {  	[tilespmem:s0+$0x6600] =	vst v0;
	s0 =	simm.s32 $0x0  }
0x24: {  	[tilespmem:s18], [sflag:$0x1] =	stream.indirect.gather [hbm4b:s3+s16], $0x40, s17, s16, $0xb8;
	[tilespmem:$0x1AB00] =	vst v63  }
0x25: {  	s2 =	simm.s32 $0x40;
	v0 =	vld [tilespmem:s0+$0x280]  }
.LBB2_4:
0x26: {  	p0 =	sne.s32 s2, $0x9C0  }
.Ltmp1:
0x27: {  	_ = 	snop;
	(pc) =	sbr.rel @p0 .LBB2_4-.Ltmp1, $3  }
0x28: {  	_ =	sdelay $0x1  }
0x29: {  	s14 =	sshra.s32 s2, $0x2;
	s2 =	sadd.s32 $0x40, s2;
	v1 =	vshll.u32 v0, $0x1  }
0x2a: {  	v0 =	vld [tilespmem:s14+$0x280];
	[tilespmem:s0+$0x6880] =	vst v1;
	s0 =	smov.u32 s14  }
0x2b: {  	_ =	sdelay $0x3  }
0x2c: {  	v0 =	vshll.u32 v0, $0x1  }
0x2d: {  	[tilespmem:s0+$0x6880] =	vst v0  }
0x2e: {  	_ =	swait.ge [sflag:s19], $0xA000  }
0x2f: {  	[sflag:s19] =	ssyncset.done $0x0  }
0x30: {  	[sflag:s19] =	ssyncadd.s32 $0xFFFF6000  }
0x31: {  	[tilespmem:s21], [sflag:$0x2] =	stream.indirect.gather [hbm4b:s3+s16], $0x40, s20, s16, $0xb8;
	[tilespmem:$0x1AB00] =	vst v63  }
0x32: {  	s30 =	simm.s32 $0x0;
	s31 =	simm.s32 $0x500;
	s0 =	simm.s32 $0x780  }
0x33: {  	[hbm4b:s9+s22] =	stream.strided.scatter [tilespmem:s18], [sflag:$0x3], $0xA000, s23, s22, $0x38;
	[tilespmem:$0x1AB00] =	vst v63  }
.LBB2_6:
0x34: {  	v0 =	vmov s31;
	_ =	sdelay $0x1  }
0x35: {  	_ =	swait.ge [sflag:s24], $0xA000  }
0x36: {  	s2 =	sshll.u32 s30, $0x1;
	s14 =	simm.s32 $0x0;
	[sflag:s24] =	ssyncset.done $0x0  }
0x37: {  	s28 =	simm.s32 $0x40;
	s2 =	sadd.s32 $0x2, s2;
	[sflag:s24] =	ssyncadd.s32 $0xFFFF6000  }
.LBB2_7:
0x38: {  	p0 =	sne.s32 s28, $0x9C0;
	v1 =	vld.idx.msk [tilespmem:v0+s14+$0x0 ss:$0x1], $0xffff;
	_ =	sdelay $0x2  }
.Ltmp2:
0x39: {  	(pc) =	sbr.rel @p0 .LBB2_7-.Ltmp2, $3  }
0x3a: {  	_ =	sdelay $0x1  }
0x3b: {  	v1 =	vshll.u32 v1, $0x1  }
0x3c: {  	[tilespmem:s14+$0x6600] =	vst v1;
	s14 =	sshra.s32 s28, $0x2;
	s28 =	sadd.s32 $0x40, s28  }
0x3d: {  	_ =	sdelay $0x3  }
0x3e: {  	v0 =	vld.idx.msk [tilespmem:v0+s14+$0x0 ss:$0x1], $0xffff;
	_ =	sdelay $0x4  }
0x3f: {  	v0 =	vshll.u32 v0, $0x1  }
0x40: {  	[tilespmem:s14+$0x6600] =	vst v0;
	s14 =	smul.u32 $0x500, s30  }
0x41: {  	_ =	swait.ge [sflag:s25], $0xA000  }
0x42: {  	[sflag:s25] =	ssyncset.done $0x0;
	s14 =	sadd.s32 s14, s10  }
0x43: {  	[sflag:s25] =	ssyncadd.s32 $0xFFFF6000;
	s14 =	sshll.u32 s14, $0x4  }
0x44: {  	[tilespmem:s18], [sflag:$0x1] =	stream.indirect.gather [hbm4b:s3+s16], $0x40, s17, s16, $0xb8;
	[tilespmem:$0x1AB00] =	vst v63  }
0x45: {  	s14 =	sand.u32 $0x1FFFF800, s14  }
0x46: {  	v0 =	vmov s0;
	s14 =	sadd.s32 s5, s14  }
0x47: {  	[hbm4b:s14+s22] =	stream.strided.scatter [tilespmem:s21], [sflag:$0x4], $0xA000, s23, s22, $0x38;
	[tilespmem:$0x1AB00] =	vst v63  }
0x48: {  	_ =	swait.ge [sflag:s19], $0xA000  }
0x49: {  	[sflag:s19] =	ssyncset.done $0x0  }
0x4a: {  	s28 =	simm.s32 $0x40;
	s14 =	simm.s32 $0x0;
	[sflag:s19] =	ssyncadd.s32 $0xFFFF6000  }
.LBB2_9:
0x4b: {  	p0 =	sne.s32 s28, $0x9C0;
	v1 =	vld.idx.msk [tilespmem:v0+s14+$0x0 ss:$0x1], $0xffff;
	_ =	sdelay $0x2  }
.Ltmp3:
0x4c: {  	(pc) =	sbr.rel @p0 .LBB2_9-.Ltmp3, $3  }
0x4d: {  	_ =	sdelay $0x1  }
0x4e: {  	v1 =	vshll.u32 v1, $0x1  }
0x4f: {  	[tilespmem:s14+$0x6880] =	vst v1;
	s14 =	sshra.s32 s28, $0x2;
	s28 =	sadd.s32 $0x40, s28  }
0x50: {  	_ =	sdelay $0x3  }
0x51: {  	v0 =	vld.idx.msk [tilespmem:v0+s14+$0x0 ss:$0x1], $0xffff;
	_ =	sdelay $0x4  }
0x52: {  	s2 =	smul.u32 $0x280, s2;
	v0 =	vshll.u32 v0, $0x1  }
0x53: {  	s30 =	sadd.s32 $0x1, s30;
	[tilespmem:s14+$0x6880] =	vst v0  }
0x54: {  	p0 =	sne.s32 s30, $0x13;
	s2 =	sadd.s32 s6, s2;
	_ =	swait.ge [sflag:s26], $0xA000  }
.Ltmp4:
0x55: {  	s2 =	sshll.u32 s2, $0x4;
	[sflag:s26] =	ssyncset.done $0x0;
	(pc) =	sbr.rel @p0 .LBB2_6-.Ltmp4, $4  }
0x56: {  	s2 =	sand.u32 $0x1FFFF000, s2;
	[sflag:s26] =	ssyncadd.s32 $0xFFFF6000  }
0x57: {  	[tilespmem:s21], [sflag:$0x2] =	stream.indirect.gather [hbm4b:s3+s16], $0x40, s20, s16, $0xb8;
	[tilespmem:$0x1AB00] =	vst v63  }
0x58: {  	s31 =	sadd.s32 $0x500, s31;
	s0 =	sadd.s32 $0x500, s0;
	s2 =	sadd.s32 s5, s2  }
0x59: {  	[hbm4b:s2+s22] =	stream.strided.scatter [tilespmem:s18], [sflag:$0x3], $0xA000, s23, s22, $0x38;
	[tilespmem:$0x1AB00] =	vst v63  }
0x5a: {  	_ =	swait.ge [sflag:s24], $0xA000  }
0x5b: {  	[sflag:s24] =	ssyncset.done $0x0  }
0x5c: {  	[sflag:s24] =	ssyncadd.s32 $0xFFFF6000  }
0x5d: {  	_ =	swait.ge [sflag:s25], $0xA000  }
0x5e: {  	[sflag:s25] =	ssyncset.done $0x0  }
0x5f: {  	[sflag:s25] =	ssyncadd.s32 $0xFFFF6000  }
0x60: {  	[hbm4b:s11+s22] =	stream.strided.scatter [tilespmem:s21], [sflag:$0x4], $0xA000, s23, s22, $0x38;
	[tilespmem:$0x1AB00] =	vst v63  }
0x61: {  	_ =	swait.ge [sflag:s26], $0xA000  }
0x62: {  	[sflag:s26] =	ssyncset.done $0x0  }
0x63: {  	s0 =	simm.s32 $0x0;
	[sflag:s26] =	ssyncadd.s32 $0xFFFF6000  }
0x64: {  	s2 =	simm.s32 $0x40;
	v0 =	vld [tilespmem:s0+$0x6400]  }
.LBB2_12:
0x65: {  	p0 =	sne.s32 s2, $0x7C0  }
.Ltmp5:
0x66: {  	_ = 	snop;
	(pc) =	sbr.rel @p0 .LBB2_12-.Ltmp5, $3  }
0x67: {  	_ =	sdelay $0x1  }
0x68: {  	s14 =	sshra.s32 s2, $0x2;
	s2 =	sadd.s32 $0x40, s2;
	v1 =	vshll.u32 v0, $0x1  }
0x69: {  	v0 =	vld [tilespmem:s14+$0x6400];
	[tilespmem:s0+$0x6600] =	vst v1;
	s0 =	smov.u32 s14  }
0x6a: {  	_ =	sdelay $0x3  }
0x6b: {  	v0 =	vshll.u32 v0, $0x1  }
0x6c: {  	s31 =	simm.s32 $0x200;
	[tilespmem:s0+$0x6600] =	vst v0  }
0x6d: {  	[tilespmem:s18], [sflag:$0x1] =	stream.indirect.gather [hbm4b:s4+s31], $0x40, s17, s31, $0xb8;
	[tilespmem:$0x1AB00] =	vst v63  }
0x6e: {  	s29 =	sadd.s32 $0x1, s29;
	_ =	swait.ge [sflag:s19], $0x8000  }
0x6f: {  	p0 =	sne.s32 s29, s13;
	[sflag:s19] =	ssyncset.done $0x0  }
.Ltmp6:
0x70: {  	[sflag:s19] =	ssyncadd.s32 $0xFFFF8000;
	(pc) =	sbr.rel @p0 .LBB2_1-.Ltmp6, $4  }
0x71: {  	[hbm4b:s12+s22] =	stream.strided.scatter [tilespmem:s18], [sflag:$0x3], $0x8000, s23, s22, $0x38;
	[tilespmem:$0x1AB00] =	vst v63  }
0x72: {  	_ =	swait.ge [sflag:s25], $0x8000  }
0x73: {  	[sflag:s25] =	ssyncset.done $0x0  }
0x74: {  	[sflag:s25] =	ssyncadd.s32 $0xFFFF8000  }
0x75: {  	_ =	sfence.sel $0x180000  }
0x76: {  	[bflag:$0x0] =	sbarrier.arrive $0xFFFF  }
0x77: {  	_ =	strace $0x9000004A  }
0x78: {  	s0 =	stileid.u32;
	[bflag:$0x2] =	sbarrier.arrive $0xFFFF  }
0x79: {  	p0 =	sne.s32 s0, $0x0;
	s0 =	rddreg [dreg:$0x3]  }
0x7a: {  	s0 =	sadd.s32 @!p0 $0x100000, s0  }
0x7b: {  	[sflag:s0] =	ssyncadd.tile.s32 @!p0 $0x1;
	_ =	shalt  }
.Lfunc_end2:
_tile_overlayer_lowered:
.L_overlay_start_2:
0x7c: {  	(tag) =	ssettag $0x2  }
0x7d: {  	s0 =	rddreg [dreg:$0x0];
	s2 =	stileid.u32  }
0x7e: {  	s1 =	rddreg [dreg:$0x1];
	p0 =	sne.s32 s2, $0x0  }
0x7f: {  	s3 =	rddreg [dreg:$0x2];
	[bflag:$0x3] =	sbarrier.arrive $0xFFFF;
	s2 =	simm.s32 @!p0 $0x1C05  }
0x80: {  	[timem:s3], [sflag:s2] =	dma.local @!p0 [hbm:s0], s1  }
0x81: {  	s0 =	simm.s32 @!p0 $0x5  }
0x82: {  	_ =	swait.ge @!p0 [sflag:s0], s1  }
0x83: {  	s1 =	ssub.s32 @!p0 $0x0, s1;
	[sflag:s0] =	ssyncset.done @!p0 $0x0  }
0x84: {  	[sflag:s0] =	ssyncadd.s32 @!p0 s1  }
0x85: {  	[bflag:$0x3] =	sbarrier.arrive $0xFFFF  }
0x86: {  	_ =	shalt  }

// kernel: sparse-core-data-format-call.1.cloned.1.call-start
scs
called_computation.1_lowered:
.L_overlay_start_0:
0x0: {  	s2 =	sld [smem:$0x3FD9]  }
0x1: {  	s3 =	sld [smem:$0x3FFE];
	_ =	sdelay $0x1  }
0x2: {  	s1 =	srdreg.scid  }
0x3: {  	s0 =	sand.u32 $0x1, s1  }
0x4: {  	s18 =	sshll.u32 s0, $0xA;
	s2 =	sadd.s32 s3, s2  }
0x5: {  	s2 =	sadd.s32 s2, s18  }
0x6: {  	[smem:$0x3FC4] =	sst s2  }
0x7: {  	_ = 	snop  }
0x8: {  	s2 =	sld [smem:$0x3FC7];
	(tm) =	ssettm $0x1  }
0x9: {  	s19 =	sld [smem:$0x3FFB];
	_ =	sdelay $0x3  }
0xa: {  	_ =	strace s19  }
0xb: {  	s3 =	sld [smem:$0x3FFC];
	_ =	sdelay $0x3  }
0xc: {  	_ =	strace s3  }
0xd: {  	s3 =	sld [smem:$0x3FFD];
	_ =	sdelay $0x3  }
0xe: {  	_ =	strace s3  }
0xf: {  	_ =	strace $0x8FFFFFFF  }
0x10: {  	s20 =	sld [smem:$0x3FDB];
	_ =	sdelay $0x1  }
0x11: {  	s4 =	simm.s32 $_scs_section_size  }
0x12: {  	s5 =	simm.s32 $_size__tile_overlayer_lowered;
	s6 =	simm.s32 $_tile_overlayer_lowered  }
0x13: {  	s23 =	simm.s32 $0x1BFF;
	s22 =	sshll.u32 s6, $0x1;
	s3 =	sadd.s32 s4, s20  }
0x14: {  	s7 =	simm.s32 $0x0;
	s21 =	sshll.u32 s5, $0x1;
	s5 =	sadd.s32 s22, s3  }
0x15: {  	[timem:s7], [sflag:s23] =	dma.local [hbm:s5], s21  }
0x16: {  	_ =	swait.ge [sflag:s23], s21  }
0x17: {  	s4 =	ssub.s32 $0x0, s21;
	[sflag:s23] =	ssyncset.done $0x0  }
0x18: {  	[sflag:s23] =	ssyncadd.s32 s4;
	_ =	sdelay $0x1  }
0x19: {  	s24 =	simm.s32 $0x1B8B  }
0x1a: {  	_ =	swait.ge [sflag:s24], $0x1  }
0x1b: {  	[sflag:s24] =	ssyncset.done $0x0  }
0x1c: {  	s26 =	simm.s32 $0x1B8E;
	s25 =	sld [smem:$0x3FFE];
	[sflag:s24] =	ssyncadd.s32 $0xFFFFFFFF  }
0x1d: {  	s27 =	simm.s32 $execute0_lowered;
	[smem:$0x3FD2] =	sst s26  }
0x1e: {  	s5 =	sshll.u32 s27, $0x1;
	_ =	strace $0x80000046;
	[dreg:$0x1] =	wrdreg $0xFFFFFFFF  }
0x1f: {  	s28 =	simm.s32 $_size_execute0_lowered;
	s3 =	sadd.s32 s3, s5;
	[dreg:$0x0] =	wrdreg $0x0  }
0x20: {  	s5 =	sshll.u32 s28, $0x1;
	[dreg:$0x2] =	wrdreg s3  }
0x21: {  	[dreg:$0x3] =	wrdreg s5  }
0x22: {  	[dreg:$0x4] =	wrdreg $0xC0  }
0x23: {  	_ =	task [dreg:s7], $0x5FFFF  }
0x24: {  	[dreg:$0x1] =	wrdreg $0xFFFFFFFF  }
0x25: {  	[dreg:$0x0] =	wrdreg $0x60  }
0x26: {  	[dreg:$0x2] =	wrdreg s2  }
0x27: {  	[dreg:$0x3] =	wrdreg s25  }
0x28: {  	[dreg:$0x4] =	wrdreg $0x9  }
0x29: {  	_ =	task.clear_ibuf [dreg:s7], $0x5FFFF;
	_ =	strace $0x90000046  }
0x2a: {  	s29 =	simm.s32 $0x9;
	_ =	strace $0x80000048  }
0x2b: {  	_ =	swait.ge [sflag:s29], $0x1  }
0x2c: {  	[sflag:s29] =	ssyncadd.s32 $0xFFFFFFFF  }
0x2d: {  	_ =	strace $0x90000048  }
0x2e: {  	_ =	sfence  }
0x2f: {  	s30 =	sld [smem:$0x0];
	_ =	sdelay $0x2  }
0x30: {  	s31 =	sshll.u32 s1, $0xD;
	s1 =	sshrl.u32 s1, $0x2  }
0x31: {  	s3 =	sand.u32 $0x4000, s31;
	s1 =	sadd.s32 s1, s30  }
0x32: {  	s0 =	sor.u32 s3, s0;
	s1 =	sshll.u32 s1, $0x11  }
0x33: {  	s0 =	sor.u32 s1, s0  }
0x34: {  	s0 =	sadd.s32 $0x8F2B, s0  }
0x35: {  	[sflag:s0] =	ssyncadd.remote.s32 $0x1  }
0x36: {  	_ =	sfence.sel $0xFFFF  }
0x37: {  	[dreg:$0x0] =	wrdreg $0xFFFFFFFF;
	(pc) =	sbr.abs _section_cstart, $3  }
0x38: {  	[dreg:$0x1] =	wrdreg $0xFFFFFFFF  }
0x39: {  	_ =	task.clear_ibuf [dreg:s7], $0x2FFFF;
	_ =	strace $0x9FFFFFFF  }
0x3a: {  	(tm) =	ssettm $0x7FFFFFFF  }
0x3b: {  	_ =	shalt  }
tec
execute0_lowered:
.L_overlay_start_1:
0x0: {  	(tag) =	ssettag $0x1  }
0x1: {  	s0 =	srdreg.scid;
	s2 =	rddreg [dreg:$0x0]  }
0x2: {  	s5 =	rddreg [dreg:$0x1];
	s1 =	stileid.u32  }
0x3: {  	s4 =	simm.s32 $0x1;
	s6 =	simm.s32 $0x2;
	s15 =	simm.s32 $0x0  }
0x4: {  	p0 =	por $0x0, $0x0;
	s8 =	simm.s32 $0x80;
	s0 =	sshll.u32 s0, $0x4  }
0x5: {  	s14 =	simm.s32 $0x0;
	s9 =	simm.s32 $0x0;
	s3 =	sand.u32 $0x10, s0  }
.Ltmp0:
0x6: {  	s10 =	simm.s32 $0x0;
	s3 =	sor.u32 s1, s3;
	(pc) =	sbr.rel .LBB1_1-.Ltmp0, $4  }
0x7: {  	s0 =	rddreg [dreg:$0x2];
	_ =	strace $0x80000047;
	s3 =	sshll.u32 s3, $0x7  }
0x8: {  	s12 =	simm.s32 $0x0;
	[sflag:s4] =	ssyncpa.u1 $0x0;
	s7 =	ssub.s32 $0xF4200, s3  }
0x9: {  	s13 =	simm.s32 $0x0;
	[sflag:s6] =	ssyncpa.u1 $0x0;
	s6 =	sshrl.u32 s7, $0xC  }
0xa: {  	s5 =	sadd.s32 $0x1400, s5;
	s11 =	smov.u32 s3;
	s7 =	sadd.s32 $0x2, s6  }
.LBB1_5:
0xb: {  	p1 =	slt.u32 s13, $0x2  }
0xc: {  	s17 =	smov.u32 s15;
	p2 =	sgt.s32 @!p1 s15, $0xF41C0;
	s16 =	sshra.s32 @!p1 s15, $0x1F  }
0xd: {  	p3 =	sgt.s32 @!p1 s14, $0x40;
	s18 =	sshra.s32 @!p1 s14, $0x1F;
	p2 =	por !p2, p1  }
0xe: {  	s15 =	sand.u32 @!p1 s16, s15;
	p3 =	por !p3, p1;
	s16 =	smov.u32 s14  }
0xf: {  	s14 =	sand.u32 @!p1 s18, s14;
	s17 =	simm.s32 @p2 $0xF41C0;
	s16 =	simm.s32 @p3 $0x40  }
0x10: {  	s15 =	ssub.s32 @!p1 s17, s15;
	s14 =	ssub.s32 @!p1 s16, s14  }
0x11: {  	s18 =	smov.u32 s12;
	s16 =	sadd.s32 @!p1 $0xFFF0BE40, s15;
	s17 =	sadd.s32 @!p1 $0xFFFFFFC0, s14  }
0x12: {  	s15 =	ssub.s32 @!p1 $0xF4240, s15;
	p2 =	sgt.s32 @!p1 s16, $0x7F;
	p3 =	sgt.s32 @!p1 s17, $0x3F  }
0x13: {  	s14 =	ssub.s32 @!p1 $0x80, s14;
	p2 =	por !p2, p1;
	p3 =	por !p3, p1  }
0x14: {  	s16 =	sadd.s32 $0x1000, s11;
	s15 =	simm.s32 @!p2 $0x0;
	s14 =	simm.s32 @!p3 $0x0  }
0x15: {  	p2 =	sgt.s32 s16, $0xF423F;
	s14 =	smul.u32 @!p1 s14, s15;
	s15 =	sadd.s32 $0x40, s12  }
0x16: {  	s18 =	smov.u32 @p2 s15  }
0x17: {  	s16 =	smov.u32 @p2 s3;
	p2 =	sgt.s32 s18, $0x3F  }
0x18: {  	s18 =	simm.s32 @p2 $0x0;
	p2 =	sne.s32 s13, s7  }
.Ltmp1:
0x19: {  	p0 =	por !p0, !p0;
	s17 =	simm.s32 @!p1 $0x2;
	(pc) =	sbr.rel @!p2 .LBB1_6-.Ltmp1, $4  }
0x1a: {  	s15 =	smov.u32 s9;
	s9 =	smov.u32 s11;
	s14 =	sand.u32 @!p1 $0x3FFFFFFF, s14  }
0x1b: {  	s11 =	smov.u32 s16;
	_ =	swait.ge @!p1 [sflag:s17], s14;
	s19 =	ssub.s32 @!p1 $0x0, s14  }
0x1c: {  	s14 =	smov.u32 s10;
	s13 =	sadd.s32 $0x1, s13;
	[sflag:s17] =	ssyncset.done @!p1 $0x0  }
0x1d: {  	s10 =	smov.u32 s12;
	s12 =	smov.u32 s18;
	[sflag:s17] =	ssyncadd.s32 @!p1 s19  }
.LBB1_1:
0x1e: {  	p1 =	sgt.u32 s13, s6  }
0x1f: {  	s16 =	sshrl.u32 @!p1 s12, $0x3  }
0x20: {  	s17 =	sshll.u32 @!p1 s11, $0x3;
	s16 =	smul.u32 @!p1 $0x7A1400, s16  }
0x21: {  	s18 =	sshll.u32 @!p1 s12, $0x7;
	s17 =	sand.u32 @!p1 $0xFFFFFC00, s17  }
0x22: {  	s16 =	sadd.s32 @!p1 s16, s17;
	s17 =	sand.u32 @!p1 $0x380, s18  }
0x23: {  	s18 =	sand.u32 @!p1 $0x7F, s11;
	s16 =	sor.u32 @!p1 s17, s16  }
0x24: {  	s17 =	sor.u32 @!p1 s18, s16  }
0x25: {  	s18 =	smulhi.u32 @!p1 $0x218D6287, s17;
	_ =	sdelay $0x1  }
0x26: {  	s16 =	smulhi.u32 @!p1 $0x218D6287, s16;
	s18 =	sshrl.u32 @!p1 s18, $0x11  }
0x27: {  	s18 =	smul.u32 @!p1 $0xF4280, s18  }
0x28: {  	s19 =	sxor.u32 @!p1 $0xFFFFFFFF, s13;
	s16 =	sshrl.u32 @!p1 s16, $0x11  }
0x29: {  	s19 =	sshll.u32 @!p1 s19, $0xD;
	s16 =	sand.u32 @!p1 $0x3F, s16;
	s17 =	ssub.s32 @!p1 s17, s18  }
0x2a: {  	s16 =	smul.u32 @!p1 $0x1E850, s16;
	s18 =	sshrl.u32 @!p1 s17, $0x3;
	s17 =	sand.u32 @!p1 $0x7, s17  }
0x2b: {  	s19 =	sand.u32 @!p1 $0x2000, s19;
	s18 =	sadd.s32 @!p1 s2, s18;
	s17 =	sshll.u32 @!p1 s17, $0x12  }
0x2c: {  	s16 =	sadd.s32 @!p1 s16, s18;
	s17 =	sor.u32 @!p1 $0x400, s17;
	s18 =	simm.s32 @!p1 $0x7A1400  }
0x2d: {  	[tilespmem:s19], [sflag:$0x1] =	stream.strided.gather @!p1 [hbm4b:s16+s17], $0x2000, s18, s17, $0x38;
	[tilespmem:$0x8100] =	vst v63  }
0x2e: {  	p1 =	seq.s32 s13, $0x0  }
0x2f: {  	p2 =	sge.u32 @!p1 s13, s7  }
0x30: {  	p1 =	por p1, p2  }
.Ltmp2:
0x31: {  	_ = 	snop;
	(pc) =	sbr.rel @p1 .LBB1_5-.Ltmp2, $1  }
0x32: {  	_ =	sdelay $0x3  }
0x33: {  	s16 =	simm.s32 $0x1  }
0x34: {  	_ =	swait.ge [sflag:s4], $0x2000;
	s16 =	simm.s32 @!p0 $0x0  }
0x35: {  	[sflag:s4] =	ssyncset.done $0x0;
	s17 =	sshll.u32 s16, $0xD  }
0x36: {  	[sflag:s4] =	ssyncadd.s32 $0xFFFFE000;
	s17 =	sor.u32 $0x40, s17  }
0x37: {  	s16 =	smul.u32 $0x8200, s16;
	v0 =	vld [tilespmem:s17+$0x30]  }
0x38: {  	v1 =	vld [tilespmem:s17+$0xFFFFFFD0]  }
0x39: {  	s16 =	sshrl.u32 s16, $0x2;
	v5 =	vld [tilespmem:s17+$0xFFFFFFE0]  }
0x3a: {  	v6 =	vld [tilespmem:s17+$0xFFFFFFF0];
	s19 =	sor.u32 $0x4000, s16  }
0x3b: {  	s31 =	sand.u32 $0x1, s13;
	v4 =	vld [tilespmem:s17+$0x0];
	s18 =	sadd.s32 $0x0, s19  }
0x3c: {  	v3 =	vld [tilespmem:s17+$0x10];
	s16 =	smul.u32 $0x8200, s31;
	[tilespmem:s18+$0x1C70 ss:$0x41] =	vst.msk $0xffff, v0  }
0x3d: {  	v2 =	vld [tilespmem:s17+$0x20];
	[tilespmem:s18+$0x410 ss:$0x41] =	vst.msk $0xffff, v1  }
0x3e: {  	s16 =	sshrl.u32 s16, $0x2;
	v1 =	vld [tilespmem:s17+$0xFFFFFFC0];
	[tilespmem:s18+$0x820 ss:$0x41] =	vst.msk $0xffff, v5;
	s17 =	sadd.s32 $0x80, s17  }
0x3f: {  	s20 =	simm.s32 $0x4;
	s21 =	simm.s32 $0x8;
	s16 =	sor.u32 $0x4000, s16;
	[tilespmem:s18+$0xC30 ss:$0x41] =	vst.msk $0xffff, v6;
	v0 =	vld [tilespmem:s17+$0x30]  }
.LBB1_3:
0x40: {  	p1 =	sne.s32 s21, $0xFC;
	v5 =	vld [tilespmem:s17+$0xFFFFFFD0];
	[tilespmem:s18+$0x1040 ss:$0x41] =	vst.msk $0xffff, v4  }
0x41: {  	v6 =	vld [tilespmem:s17+$0xFFFFFFE0];
	[tilespmem:s18+$0x1450 ss:$0x41] =	vst.msk $0xffff, v3  }
0x42: {  	s22 =	sshra.s32 s20, $0x2;
	s20 =	smov.u32 s21;
	v7 =	vld [tilespmem:s17+$0xFFFFFFF0];
	[tilespmem:s18+$0x1860 ss:$0x41] =	vst.msk $0xffff, v2  }
.Ltmp3:
0x43: {  	v4 =	vld [tilespmem:s17+$0x0];
	[tilespmem:s18+$0x0 ss:$0x41] =	vst.msk $0xffff, v1;
	s18 =	sadd.s32 s22, s19;
	(pc) =	sbr.rel @p1 .LBB1_3-.Ltmp3, $4  }
0x44: {  	v3 =	vld [tilespmem:s17+$0x10];
	[tilespmem:s18+$0x1C70 ss:$0x41] =	vst.msk $0xffff, v0  }
0x45: {  	[tilespmem:s18+$0x410 ss:$0x41] =	vst.msk $0xffff, v5;
	v2 =	vld [tilespmem:s17+$0x20]  }
0x46: {  	v1 =	vld [tilespmem:s17+$0xFFFFFFC0];
	[tilespmem:s18+$0x820 ss:$0x41] =	vst.msk $0xffff, v6;
	s17 =	sadd.s32 $0x80, s17  }
0x47: {  	s21 =	sadd.s32 $0x4, s21;
	v0 =	vld [tilespmem:s17+$0x30];
	[tilespmem:s18+$0xC30 ss:$0x41] =	vst.msk $0xffff, v7  }
0x48: {  	s21 =	sshll.u32 s9, $0x7;
	s22 =	sshll.u32 s10, $0x3;
	s20 =	sshra.s32 s20, $0x2  }
0x49: {  	p1 =	sgt.s32 s9, $0xF41C0;
	s30 =	sshra.s32 s9, $0x1F;
	s25 =	sshra.s32 s10, $0x1F  }
0x4a: {  	v5 =	vld [tilespmem:s17+$0xFFFFFFD0];
	s28 =	sshrl.u32 s10, $0x3;
	s23 =	sand.u32 $0xFFFFFC00, s21;
	s22 =	sand.u32 $0xFFFFFC00, s22  }
0x4b: {  	[tilespmem:s18+$0x1040 ss:$0x41] =	vst.msk $0xffff, v4;
	v58 =	vld [tilespmem:s17+$0xFFFFFFE0];
	s21 =	sand.u32 $0x380, s21;
	s19 =	sadd.s32 s20, s19;
	s22 =	sadd.s32 s22, s23  }
0x4c: {  	v59 =	vld [tilespmem:s17+$0xFFFFFFF0];
	[tilespmem:s18+$0x1450 ss:$0x41] =	vst.msk $0xffff, v3;
	s29 =	sor.u32 s21, s22;
	s21 =	smov.u32 s9;
	s22 =	sand.u32 s30, s9  }
0x4d: {  	v60 =	vld [tilespmem:s17+$0x0];
	[tilespmem:s18+$0x1860 ss:$0x41] =	vst.msk $0xffff, v2;
	s30 =	sand.u32 $0x7, s10;
	s20 =	sshrl.u32 s29, $0x7;
	s21 =	simm.s32 @!p1 $0xF41C0  }
0x4e: {  	v61 =	vld [tilespmem:s17+$0x10];
	[tilespmem:s18+$0x0 ss:$0x41] =	vst.msk $0xffff, v1;
	p1 =	sgt.s32 s10, $0x40;
	s24 =	ssub.s32 s21, s22;
	s21 =	smov.u32 s10  }
0x4f: {  	v62 =	vld [tilespmem:s17+$0x20];
	[tilespmem:s19+$0x1C70 ss:$0x41] =	vst.msk $0xffff, v0;
	s31 =	smulhi.u32 $0x218DEF5, s20;
	s22 =	sand.u32 s25, s10;
	s21 =	simm.s32 @!p1 $0x40  }
0x50: {  	v63 =	vld [tilespmem:s17+$0xFFFFFFC0];
	[tilespmem:s19+$0x410 ss:$0x41] =	vst.msk $0xffff, v5;
	s26 =	sadd.s32 $0xFFF0BE40, s24;
	s17 =	ssub.s32 $0xF4240, s24;
	s21 =	ssub.s32 s21, s22  }
0x51: {  	[tilespmem:s19+$0x820 ss:$0x41] =	vst.msk $0xffff, v58;
	s23 =	sshrl.u32 s31, $0xD;
	p1 =	sgt.s32 s26, $0x7F;
	s27 =	sadd.s32 $0xFFFFFFC0, s21  }
0x52: {  	[tilespmem:s19+$0xC30 ss:$0x41] =	vst.msk $0xffff, v59;
	s23 =	smul.u32 $0xF4240, s23;
	s18 =	ssub.s32 $0x80, s21;
	p2 =	sgt.s32 s27, $0x3F  }
.Ltmp4:
0x53: {  	[tilespmem:s19+$0x1040 ss:$0x41] =	vst.msk $0xffff, v60;
	s17 =	simm.s32 @p1 $0x0;
	s18 =	simm.s32 @p2 $0x0;
	(pc) =	sbr.rel .LBB1_5-.Ltmp4, $4  }
0x54: {  	s29 =	sand.u32 $0xF, s28;
	[tilespmem:s19+$0x1450 ss:$0x41] =	vst.msk $0xffff, v61;
	s20 =	ssub.s32 s20, s23;
	s17 =	smul.u32 s18, s17  }
0x55: {  	[tilespmem:s19+$0x1860 ss:$0x41] =	vst.msk $0xffff, v62;
	s21 =	sshll.u32 s30, $0x12;
	s20 =	sshll.u32 s20, $0x4;
	s18 =	sadd.s32 s5, s29  }
0x56: {  	[tilespmem:s19+$0x0 ss:$0x41] =	vst.msk $0xffff, v63;
	s31 =	sor.u32 $0x40, s21;
	s18 =	sadd.s32 s20, s18;
	s17 =	sand.u32 $0x3FFFFFFF, s17  }
0x57: {  	[hbm4b:s18+s31] =	stream.strided.scatter [tilespmem:s16], [sflag:$0x2], s17, s8, s31, $0x18;
	[tilespmem:$0x8100] =	vst v63  }
.LBB1_6:
0x58: {  	_ =	sfence.sel $0x180000  }
0x59: {  	s2 =	simm.s32 $0x1;
	[bflag:$0x0] =	sbarrier.arrive $0xFFFF  }
0x5a: {  	s31 =	simm.s32 $0x2;
	[sflag:s2] =	ssyncpa.u1 $0x1  }
0x5b: {  	[sflag:s31] =	ssyncpa.u1 $0x1  }
0x5c: {  	p0 =	sne.s32 s1, $0x0;
	_ =	strace $0x90000047  }
0x5d: {  	s0 =	sadd.s32 @!p0 $0x100000, s0;
	[bflag:$0x2] =	sbarrier.arrive $0xFFFF  }
0x5e: {  	[sflag:s0] =	ssyncadd.tile.s32 @!p0 $0x1;
	_ =	shalt  }
.Lfunc_end1:
_tile_overlayer_lowered:
.L_overlay_start_2:
0x5f: {  	(tag) =	ssettag $0x2  }
0x60: {  	s0 =	rddreg [dreg:$0x0];
	s2 =	stileid.u32  }
0x61: {  	s1 =	rddreg [dreg:$0x1];
	p0 =	sne.s32 s2, $0x0  }
0x62: {  	s3 =	rddreg [dreg:$0x2];
	[bflag:$0x3] =	sbarrier.arrive $0xFFFF;
	s2 =	simm.s32 @!p0 $0x1C01  }
0x63: {  	[timem:s3], [sflag:s2] =	dma.local @!p0 [hbm:s0], s1  }
0x64: {  	s0 =	simm.s32 @!p0 $0x1  }
0x65: {  	_ =	swait.ge @!p0 [sflag:s0], s1  }
0x66: {  	s1 =	ssub.s32 @!p0 $0x0, s1;
	[sflag:s0] =	ssyncset.done @!p0 $0x0  }
0x67: {  	[sflag:s0] =	ssyncadd.s32 @!p0 s1  }
0x68: {  	[bflag:$0x3] =	sbarrier.arrive $0xFFFF  }
0x69: {  	_ =	shalt  }

// kernel: sparse-core-data-format-call.cloned.1.call-start
scs
called_computation_lowered:
.L_overlay_start_0:
0x0: {  	s2 =	sld [smem:$0x3FD9]  }
0x1: {  	s3 =	sld [smem:$0x3FFE];
	_ =	sdelay $0x1  }
0x2: {  	s1 =	srdreg.scid  }
0x3: {  	s0 =	sand.u32 $0x1, s1  }
0x4: {  	s15 =	sshll.u32 s0, $0xA;
	s2 =	sadd.s32 s3, s2  }
0x5: {  	s2 =	sadd.s32 s2, s15  }
0x6: {  	[smem:$0x3FC4] =	sst s2  }
0x7: {  	_ = 	snop  }
0x8: {  	s2 =	sld [smem:$0x3FD0];
	_ =	sdelay $0x2  }
0x9: {  	s16 =	simm.s32 $0xA;
	s4 =	simm.s32 $0x10  }
0xa: {  	[smem:s4], [sflag:s16] =	dma.local [hbm:s2], $0x1  }
0xb: {  	_ =	swait.eq [sflag:s16], $0x1  }
0xc: {  	[sflag:s16] =	ssyncset.done $0x0  }
0xd: {  	[sflag:s16] =	ssyncadd.s32 $0xFFFFFFFF  }
0xe: {  	s17 =	sld [smem:$0x10];
	(tm) =	ssettm $0x1  }
0xf: {  	s18 =	sld [smem:$0x3FFB];
	_ =	sdelay $0x3  }
0x10: {  	_ =	strace s18  }
0x11: {  	s3 =	sld [smem:$0x3FFC];
	_ =	sdelay $0x3  }
0x12: {  	_ =	strace s3  }
0x13: {  	s3 =	sld [smem:$0x3FFD];
	_ =	sdelay $0x3  }
0x14: {  	_ =	strace s3  }
0x15: {  	_ =	strace $0x8FFFFFFF  }
0x16: {  	s19 =	sld [smem:$0x3FDB];
	_ =	sdelay $0x1  }
0x17: {  	s20 =	simm.s32 $_scs_section_size  }
0x18: {  	s5 =	simm.s32 $_size__tile_overlayer_lowered;
	s6 =	simm.s32 $_tile_overlayer_lowered  }
0x19: {  	s23 =	simm.s32 $0x1BFF;
	s22 =	sshll.u32 s6, $0x1;
	s3 =	sadd.s32 s20, s19  }
0x1a: {  	s7 =	simm.s32 $0x0;
	s21 =	sshll.u32 s5, $0x1;
	s5 =	sadd.s32 s22, s3  }
0x1b: {  	[timem:s7], [sflag:s23] =	dma.local [hbm:s5], s21  }
0x1c: {  	_ =	swait.ge [sflag:s23], s21  }
0x1d: {  	s4 =	ssub.s32 $0x0, s21;
	[sflag:s23] =	ssyncset.done $0x0  }
0x1e: {  	[sflag:s23] =	ssyncadd.s32 s4;
	_ =	sdelay $0x1  }
0x1f: {  	s24 =	simm.s32 $0x1B8B  }
0x20: {  	_ =	swait.ge [sflag:s24], $0x1  }
0x21: {  	[sflag:s24] =	ssyncset.done $0x0  }
0x22: {  	s26 =	simm.s32 $0x1B8E;
	s25 =	sld [smem:$0x3FFE];
	[sflag:s24] =	ssyncadd.s32 $0xFFFFFFFF  }
0x23: {  	s27 =	simm.s32 $execute0_lowered;
	[smem:$0x3FD2] =	sst s26  }
0x24: {  	s5 =	sshll.u32 s27, $0x1;
	_ =	strace $0x8000004C;
	[dreg:$0x1] =	wrdreg $0xFFFFFFFF  }
0x25: {  	s28 =	simm.s32 $_size_execute0_lowered;
	s3 =	sadd.s32 s3, s5;
	[dreg:$0x0] =	wrdreg $0x0  }
0x26: {  	s5 =	sshll.u32 s28, $0x1;
	[dreg:$0x2] =	wrdreg s3  }
0x27: {  	[dreg:$0x3] =	wrdreg s5  }
0x28: {  	[dreg:$0x4] =	wrdreg $0xC0  }
0x29: {  	_ =	task [dreg:s7], $0x5FFFF  }
0x2a: {  	[dreg:$0x1] =	wrdreg $0xFFFFFFFF  }
0x2b: {  	[dreg:$0x0] =	wrdreg $0x60  }
0x2c: {  	[dreg:$0x2] =	wrdreg s25  }
0x2d: {  	[dreg:$0x3] =	wrdreg s17  }
0x2e: {  	[dreg:$0x4] =	wrdreg $0x9  }
0x2f: {  	_ =	task.clear_ibuf [dreg:s7], $0x5FFFF;
	_ =	strace $0x9000004C  }
0x30: {  	s29 =	simm.s32 $0x9;
	_ =	strace $0x8000004E  }
0x31: {  	_ =	swait.ge [sflag:s29], $0x1  }
0x32: {  	[sflag:s29] =	ssyncadd.s32 $0xFFFFFFFF  }
0x33: {  	_ =	strace $0x9000004E  }
0x34: {  	_ =	sfence  }
0x35: {  	s30 =	sld [smem:$0x0];
	_ =	sdelay $0x2  }
0x36: {  	s31 =	sshll.u32 s1, $0xD;
	s1 =	sshrl.u32 s1, $0x2  }
0x37: {  	s3 =	sand.u32 $0x4000, s31;
	s1 =	sadd.s32 s1, s30  }
0x38: {  	s0 =	sor.u32 s3, s0;
	s1 =	sshll.u32 s1, $0x11  }
0x39: {  	s0 =	sor.u32 s1, s0  }
0x3a: {  	s0 =	sadd.s32 $0x8F2B, s0  }
0x3b: {  	[sflag:s0] =	ssyncadd.remote.s32 $0x1  }
0x3c: {  	_ =	sfence.sel $0xFFFF  }
0x3d: {  	[dreg:$0x0] =	wrdreg $0xFFFFFFFF;
	(pc) =	sbr.abs _section_cstart, $3  }
0x3e: {  	[dreg:$0x1] =	wrdreg $0xFFFFFFFF  }
0x3f: {  	_ =	task.clear_ibuf [dreg:s7], $0x2FFFF;
	_ =	strace $0x9FFFFFFF  }
0x40: {  	(tm) =	ssettm $0x7FFFFFFF  }
0x41: {  	_ =	shalt  }
tec
execute0_lowered:
.L_overlay_start_1:
0x0: {  	(tag) =	ssettag $0x1  }
0x1: {  	s0 =	srdreg.scid  }
0x2: {  	s1 =	sshll.u32 s0, $0x4  }
0x3: {  	s4 =	rddreg [dreg:$0x0];
	s0 =	stileid.u32;
	s1 =	sand.u32 $0x10, s1  }
0x4: {  	s2 =	rddreg [dreg:$0x1];
	s7 =	simm.s32 $0x1;
	s1 =	sor.u32 s0, s1  }
0x5: {  	s8 =	simm.s32 $0x2;
	s11 =	simm.s32 $0x0;
	s3 =	sshll.u32 s1, $0x7  }
0x6: {  	s10 =	simm.s32 $0x0;
	s4 =	sadd.s32 $0x41400, s4;
	s6 =	ssub.s32 $0xC8000, s3  }
.Ltmp0:
0x7: {  	s1 =	rddreg [dreg:$0x2];
	s5 =	sand.u32 $0xF80, s6;
	(pc) =	sbr.rel .LBB1_1-.Ltmp0, $4  }
0x8: {  	_ =	strace $0x8000004D;
	s9 =	smov.u32 s3;
	p0 =	sne.s32 s5, $0x0  }
0x9: {  	s6 =	sshrl.u32 s6, $0xC;
	s5 =	simm.s32 $0x1;
	s7 =	simm.s32 @!p0 $0x0  }
0xa: {  	[sflag:s5] =	ssyncpa.u1 $0x0;
	p0 =	por $0x0, $0x0;
	s6 =	sadd.s32 s7, s6  }
0xb: {  	[sflag:s8] =	ssyncpa.u1 $0x0;
	s8 =	simm.s32 $0x640000;
	s7 =	sadd.s32 $0x1, s6  }
.LBB1_4:
0xc: {  	s14 =	sshll.u32 s11, $0x3  }
0xd: {  	s30 =	sand.u32 $0x7F, s11;
	s15 =	sand.u32 $0xFFFFFC00, s14  }
0xe: {  	s11 =	sor.u32 s30, s15  }
0xf: {  	s15 =	smulhi.u32 $0x51EB851F, s11  }
0x10: {  	s14 =	smulhi.u32 $0x51EB851F, s14  }
0x11: {  	s15 =	sshrl.u32 s15, $0x12  }
0x12: {  	s14 =	sshrl.u32 s14, $0x12;
	s15 =	smul.u32 $0xC8000, s15  }
0x13: {  	s14 =	sand.u32 $0x3F, s14  }
0x14: {  	s14 =	smul.u32 $0x19000, s14;
	s11 =	ssub.s32 s11, s15  }
0x15: {  	[tilespmem:s13+$0x810 ss:$0x81] =	vst.msk $0xffff, v2;
	s15 =	sand.u32 $0x7, s11  }
0x16: {  	[tilespmem:s13+$0x1020 ss:$0x81] =	vst.msk $0xffff, v0;
	s14 =	sadd.s32 s2, s14;
	s11 =	sshrl.u32 s11, $0x3;
	s15 =	sshll.u32 s15, $0x12  }
0x17: {  	[tilespmem:s13+$0x0 ss:$0x81] =	vst.msk $0xffff, v1;
	s11 =	sadd.s32 s11, s14;
	s31 =	sor.u32 $0x400, s15  }
0x18: {  	[hbm4b:s11+s31] =	stream.strided.scatter [tilespmem:s12], [sflag:$0x2], $0x2000, s8, s31, $0x20;
	[tilespmem:$0x8080] =	vst v63  }
.LBB1_5:
0x19: {  	s13 =	sadd.s32 $0x1000, s9  }
0x1a: {  	p2 =	sgt.s32 s13, $0xC7FFF  }
0x1b: {  	s13 =	smov.u32 @p2 s3;
	p2 =	sne.s32 s10, s7  }
.Ltmp1:
0x1c: {  	p1 =	slt.u32 s10, $0x2;
	(pc) =	sbr.rel @!p2 .LBB1_6-.Ltmp1, $4  }
0x1d: {  	s12 =	simm.s32 @!p1 $0x2  }
0x1e: {  	s14 =	sadd.s32 $0x1, s10;
	_ =	swait.ge @!p1 [sflag:s12], $0x2000  }
0x1f: {  	s11 =	smov.u32 s9;
	p0 =	por !p0, !p0;
	[sflag:s12] =	ssyncset.done @!p1 $0x0  }
0x20: {  	s10 =	smov.u32 s14;
	s9 =	smov.u32 s13;
	[sflag:s12] =	ssyncadd.s32 @!p1 $0xFFFFE000  }
.LBB1_1:
0x21: {  	p1 =	sge.u32 s10, s6  }
0x22: {  	s12 =	sand.u32 @!p1 $0x1FFFFFF, s9  }
0x23: {  	s13 =	smulhi.u32 @!p1 $0x147AE15, s12;
	_ =	sdelay $0x1  }
0x24: {  	s13 =	sshrl.u32 @!p1 s13, $0xC  }
0x25: {  	s13 =	smul.u32 @!p1 $0xC8000, s13;
	_ =	sdelay $0x1  }
0x26: {  	s31 =	sadd.s32 $0xFFFFFFFF, s10;
	s14 =	sxor.u32 @!p1 $0xFFFFFFFF, s10;
	s12 =	ssub.s32 @!p1 s12, s13  }
0x27: {  	s15 =	simm.s32 @!p1 $0x80;
	s14 =	sshll.u32 @!p1 s14, $0xD;
	s12 =	sshll.u32 @!p1 s12, $0x4  }
0x28: {  	s13 =	sand.u32 @!p1 $0x2000, s14;
	s14 =	simm.s32 @!p1 $0x40;
	s12 =	sadd.s32 @!p1 s4, s12  }
0x29: {  	[tilespmem:s13], [sflag:$0x1] =	stream.strided.gather @!p1 [hbm4b:s12+s14], $0x2000, s15, s14, $0x38;
	[tilespmem:$0x8080] =	vst v63  }
0x2a: {  	p1 =	sge.u32 s31, s6  }
.Ltmp2:
0x2b: {  	_ = 	snop;
	(pc) =	sbr.rel @p1 .LBB1_5-.Ltmp2, $1  }
0x2c: {  	_ =	sdelay $0x3  }
0x2d: {  	s12 =	simm.s32 $0x1  }
0x2e: {  	_ =	swait.ge [sflag:s5], $0x2000;
	s12 =	simm.s32 @!p0 $0x0  }
0x2f: {  	[sflag:s5] =	ssyncset.done $0x0;
	s13 =	sshll.u32 s12, $0xD  }
0x30: {  	[sflag:s5] =	ssyncadd.s32 $0xFFFFE000;
	s16 =	sor.u32 $0x20, s13  }
0x31: {  	s12 =	smul.u32 $0x8100, s12;
	v3 =	vld [tilespmem:s16+$0x10]  }
0x32: {  	s30 =	sand.u32 $0x1, s10;
	v2 =	vld [tilespmem:s16+$0xFFFFFFF0]  }
0x33: {  	s13 =	smul.u32 $0x8100, s30;
	s12 =	sshrl.u32 s12, $0x2;
	v0 =	vld [tilespmem:s16+$0x0]  }
0x34: {  	v1 =	vld [tilespmem:s16+$0xFFFFFFE0];
	s14 =	sor.u32 $0x4000, s12  }
0x35: {  	s31 =	sshrl.u32 s13, $0x2;
	s13 =	sadd.s32 $0x0, s14  }
0x36: {  	s15 =	simm.s32 $0x4;
	s16 =	sadd.s32 $0x40, s16;
	s12 =	sor.u32 $0x4000, s31;
	[tilespmem:s13+$0x1830 ss:$0x81] =	vst.msk $0xffff, v3  }
.LBB1_3:
0x37: {  	v3 =	vld [tilespmem:s16+$0x10];
	p1 =	sne.s32 s15, $0x1FC;
	[tilespmem:s13+$0x810 ss:$0x81] =	vst.msk $0xffff, v2;
	s17 =	smov.u32 s15;
	s15 =	sadd.s32 $0x4, s15  }
.Ltmp3:
0x38: {  	v2 =	vld [tilespmem:s16+$0xFFFFFFF0];
	[tilespmem:s13+$0x1020 ss:$0x81] =	vst.msk $0xffff, v0;
	(pc) =	sbr.rel @p1 .LBB1_3-.Ltmp3, $4  }
0x39: {  	v0 =	vld [tilespmem:s16+$0x0];
	[tilespmem:s13+$0x0 ss:$0x81] =	vst.msk $0xffff, v1  }
0x3a: {  	s13 =	sshra.s32 s17, $0x2;
	v1 =	vld [tilespmem:s16+$0xFFFFFFE0]  }
0x3b: {  	s13 =	sadd.s32 s13, s14  }
0x3c: {  	s16 =	sadd.s32 $0x40, s16;
	[tilespmem:s13+$0x1830 ss:$0x81] =	vst.msk $0xffff, v3  }
.Ltmp4:
0x3d: {  	_ = 	snop;
	(pc) =	sbr.rel .LBB1_4-.Ltmp4, $1  }
0x3e: {  	_ =	sdelay $0x3  }
.LBB1_6:
0x3f: {  	_ =	sfence.sel $0x180000  }
0x40: {  	s2 =	simm.s32 $0x1;
	[bflag:$0x0] =	sbarrier.arrive $0xFFFF  }
0x41: {  	s31 =	simm.s32 $0x2;
	[sflag:s2] =	ssyncpa.u1 $0x1  }
0x42: {  	[sflag:s31] =	ssyncpa.u1 $0x1  }
0x43: {  	p0 =	sne.s32 s0, $0x0;
	_ =	strace $0x9000004D  }
0x44: {  	s0 =	sadd.s32 @!p0 $0x100000, s1;
	[bflag:$0x2] =	sbarrier.arrive $0xFFFF  }
0x45: {  	[sflag:s0] =	ssyncadd.tile.s32 @!p0 $0x1;
	_ =	shalt  }
.Lfunc_end1:
_tile_overlayer_lowered:
.L_overlay_start_2:
0x46: {  	(tag) =	ssettag $0x2  }
0x47: {  	s0 =	rddreg [dreg:$0x0];
	s2 =	stileid.u32  }
0x48: {  	s1 =	rddreg [dreg:$0x1];
	p0 =	sne.s32 s2, $0x0  }
0x49: {  	s3 =	rddreg [dreg:$0x2];
	[bflag:$0x3] =	sbarrier.arrive $0xFFFF;
	s2 =	simm.s32 @!p0 $0x1C01  }
0x4a: {  	[timem:s3], [sflag:s2] =	dma.local @!p0 [hbm:s0], s1  }
0x4b: {  	s0 =	simm.s32 @!p0 $0x1  }
0x4c: {  	_ =	swait.ge @!p0 [sflag:s0], s1  }
0x4d: {  	s1 =	ssub.s32 @!p0 $0x0, s1;
	[sflag:s0] =	ssyncset.done @!p0 $0x0  }
0x4e: {  	[sflag:s0] =	ssyncadd.s32 @!p0 s1  }
0x4f: {  	[bflag:$0x3] =	sbarrier.arrive $0xFFFF  }
0x50: {  	_ =	shalt  }

</sc_bundles>
